<compile_context>
chip_gen: v7x
topology: tpu7x:2x2x1
jax: 0.10.2.dev20260603
libtpu: 0.0.44.dev20260713+nightly
codegen_flags: <defaults>
</compile_context>

<pallas_src>
import functools

import jax
import jax.numpy as jnp
from jax import lax
from jax.experimental import pallas as pl
from jax.experimental.pallas import tpu as pltpu
from jax.experimental.pallas import tpu_sc as plsc

N_NODES = 10000
N_EDGES = 320000
HIDDEN = 128
NUM_RADIAL = 16


_EDGE_BLK = 2560


def _radial_body(rbt_ref, w1_ref, b1_ref, w2_ref, b2_ref, out_ref):
    x = lax.dot_general(rbt_ref[...], w1_ref[...],
                        ((( 0,), (0,)), ((), ())),
                        preferred_element_type=jnp.float32)
    x = x + b1_ref[...]
    x = x * jax.nn.sigmoid(x)
    y = jnp.dot(x.astype(jnp.bfloat16), w2_ref[...],
                preferred_element_type=jnp.float32)
    out_ref[...] = y + b2_ref[...]


def _radial_mlp(rbt, W1, b1, W2, b2):
    grid = (N_EDGES // _EDGE_BLK,)
    return pl.pallas_call(
        _radial_body,
        grid=grid,
        in_specs=[
            pl.BlockSpec((NUM_RADIAL, _EDGE_BLK), lambda i: (0, i)),
            pl.BlockSpec((NUM_RADIAL, HIDDEN), lambda i: (0, 0)),
            pl.BlockSpec((1, HIDDEN), lambda i: (0, 0)),
            pl.BlockSpec((HIDDEN, HIDDEN), lambda i: (0, 0)),
            pl.BlockSpec((1, HIDDEN), lambda i: (0, 0)),
        ],
        out_specs=pl.BlockSpec((_EDGE_BLK, HIDDEN), lambda i: (i, 0)),
        out_shape=jax.ShapeDtypeStruct((N_EDGES, HIDDEN), jnp.float32),
    )(rbt, W1, b1, W2, b2)



_NC = 2
_NS = 16
_NW = _NC * _NS
_EPW = N_EDGES // _NW
_CHUNK = 80
_STEPS = _EPW // _CHUNK
_RPT = 624


def _sc_body(h_hbm, w_hbm, idx_hbm, out_hbm,
             idx0_v, idx1_v, rows0_v, rows1_v, w0_v, w1_v, acc_sh,
             sem_g0, sem_g1, sem_w0, sem_w1):
    c = lax.axis_index("c")
    s = lax.axis_index("s")
    wid = c * _NS + s
    idx_bufs = (idx0_v, idx1_v)
    rows_bufs = (rows0_v, rows1_v)
    w_bufs = (w0_v, w1_v)
    sems_g = (sem_g0, sem_g1)
    sems_w = (sem_w0, sem_w1)

    def _fetch_issue(t, b):
        pltpu.sync_copy(idx_hbm.at[:, wid, t], idx_bufs[b])
        pltpu.make_async_copy(h_hbm.at[idx_bufs[b].at[0, 0]], rows_bufs[b],
                              sems_g[b]).start()
        pltpu.make_async_copy(w_hbm.at[wid, pl.ds(t * _CHUNK, _CHUNK)],
                              w_bufs[b], sems_w[b]).start()

    def _zrow(i, carry):
        for j in range(HIDDEN // 16):
            rows0_v[i, pl.ds(j * 16, 16)] = jnp.zeros((16,), jnp.float32)
        return carry
    lax.fori_loop(0, _CHUNK, _zrow, 0)
    zbase = s * _RPT
    for k in range(_RPT // _CHUNK):
        pltpu.sync_copy(rows0_v.at[pl.ds(0, _CHUNK)],
                        acc_sh.at[pl.ds(zbase + k * _CHUNK, _CHUNK)])
    _rem = _RPT % _CHUNK
    if _rem:
        pltpu.sync_copy(rows0_v.at[pl.ds(0, _rem)],
                        acc_sh.at[pl.ds(zbase + _RPT - _rem, _rem)])
    _tail = N_NODES - _NS * _RPT

    @pl.when(s == _NS - 1)
    def _ztail():
        pltpu.sync_copy(rows0_v.at[pl.ds(0, _tail)],
                        acc_sh.at[pl.ds(_NS * _RPT, _tail)])

    _fetch_issue(0, 0)
    _fetch_issue(1, 1)
    plsc.subcore_barrier()

    def _do_step(t, b):
        rows_b, w_b = rows_bufs[b], w_bufs[b]
        pltpu.make_async_copy(h_hbm.at[idx_bufs[b].at[0, 0]], rows_b,
                              sems_g[b]).wait()
        pltpu.make_async_copy(w_hbm.at[wid, pl.ds(t * _CHUNK, _CHUNK)],
                              w_b, sems_w[b]).wait()

        def _mul(i, carry2):
            for j in range(HIDDEN // 16):
                sl = pl.ds(j * 16, 16)
                rows_b[i, sl] = rows_b[i, sl] * w_b[i, sl]
            return carry2
        lax.fori_loop(0, _CHUNK, _mul, 0)

        pltpu.sync_copy(rows_b, acc_sh.at[idx_bufs[b].at[1, 0]], add=True)

    def _pair(g, carry):
        for b in range(2):
            t = 2 * g + b

            _do_step(t, b)

            @pl.when(t + 2 < _STEPS)
            def _prefetch():
                _fetch_issue(t + 2, b)
        return carry
    lax.fori_loop(0, _STEPS // 2, _pair, 0)
    if _STEPS % 2:
        _do_step(_STEPS - 1, 0)
    plsc.subcore_barrier()

    for k in range(_RPT // _CHUNK):
        off = zbase + k * _CHUNK
        pltpu.sync_copy(acc_sh.at[pl.ds(off, _CHUNK)],
                        out_hbm.at[c, pl.ds(off, _CHUNK)])
    if _rem:
        off = zbase + _RPT - _rem
        pltpu.sync_copy(acc_sh.at[pl.ds(off, _rem)],
                        out_hbm.at[c, pl.ds(off, _rem)])

    @pl.when(s == _NS - 1)
    def _wtail():
        pltpu.sync_copy(acc_sh.at[pl.ds(_NS * _RPT, _tail)],
                        out_hbm.at[c, pl.ds(_NS * _RPT, _tail)])


def _sc_gather_mul_scatter(h, w_edges, ei):
    mesh = plsc.VectorSubcoreMesh(core_axis_name="c", subcore_axis_name="s")
    f = functools.partial(
        pl.kernel,
        mesh=mesh,
        out_type=jax.ShapeDtypeStruct((_NC, N_NODES, HIDDEN), jnp.float32),
        scratch_types=[
            pltpu.VMEM((2, 1, _CHUNK), jnp.int32),
            pltpu.VMEM((2, 1, _CHUNK), jnp.int32),
            pltpu.VMEM((_CHUNK, HIDDEN), jnp.float32),
            pltpu.VMEM((_CHUNK, HIDDEN), jnp.float32),
            pltpu.VMEM((_CHUNK, HIDDEN), jnp.float32),
            pltpu.VMEM((_CHUNK, HIDDEN), jnp.float32),
            pltpu.VMEM_SHARED((N_NODES, HIDDEN), jnp.float32),
            pltpu.SemaphoreType.DMA,
            pltpu.SemaphoreType.DMA,
            pltpu.SemaphoreType.DMA,
            pltpu.SemaphoreType.DMA,
        ],
    )(_sc_body)
    idx2 = ei.reshape(2, _NW, _STEPS, 1, _CHUNK)
    return f(h, w_edges.reshape(_NW, _EPW, HIDDEN), idx2)



_NODE_BLK = 1000


def _mlp_body(p_ref, wd0_ref, bd0_ref, wd1_ref, bd1_ref, wd2_ref, bd2_ref,
              wo_ref, bo_ref, out_ref):
    x = p_ref[0] + p_ref[1]
    for w_ref, b_ref in ((wd0_ref, bd0_ref), (wd1_ref, bd1_ref), (wd2_ref, bd2_ref)):
        x = jnp.dot(x, w_ref[...], preferred_element_type=jnp.float32) + b_ref[...]
        x = x * jax.nn.sigmoid(x)
    out_ref[...] = (jnp.dot(x, wo_ref[...], preferred_element_type=jnp.float32)
                    + bo_ref[...])


def _node_mlp(partials, Wd0, bd0, Wd1, bd1, Wd2, bd2, Wo, bo):
    grid = (N_NODES // _NODE_BLK,)
    return pl.pallas_call(
        _mlp_body,
        grid=grid,
        in_specs=[
            pl.BlockSpec((_NC, _NODE_BLK, HIDDEN), lambda i: (0, i, 0)),
            pl.BlockSpec((HIDDEN, HIDDEN), lambda i: (0, 0)),
            pl.BlockSpec((1, HIDDEN), lambda i: (0, 0)),
            pl.BlockSpec((HIDDEN, HIDDEN), lambda i: (0, 0)),
            pl.BlockSpec((1, HIDDEN), lambda i: (0, 0)),
            pl.BlockSpec((HIDDEN, HIDDEN), lambda i: (0, 0)),
            pl.BlockSpec((1, HIDDEN), lambda i: (0, 0)),
            pl.BlockSpec((HIDDEN, 1), lambda i: (0, 0)),
            pl.BlockSpec((1, 1), lambda i: (0, 0)),
        ],
        out_specs=pl.BlockSpec((_NODE_BLK, 1), lambda i: (i, 0)),
        out_shape=jax.ShapeDtypeStruct((N_NODES, 1), jnp.float32),
    )(partials, Wd0, bd0, Wd1, bd1, Wd2, bd2, Wo, bo)


def kernel(h, radial_basis, edge_index, W1, b1, W2, b2,
           Wd0, bd0, Wd1, bd1, Wd2, bd2, Wo, bo):
    ei = edge_index.astype(jnp.int32)
    w_edges = _radial_mlp(radial_basis.T, W1, b1.reshape(1, HIDDEN),
                          W2.astype(jnp.bfloat16), b2.reshape(1, HIDDEN))
    partials = _sc_gather_mul_scatter(h, w_edges, ei)
    return _node_mlp(partials, Wd0, bd0.reshape(1, HIDDEN),
                     Wd1, bd1.reshape(1, HIDDEN), Wd2, bd2.reshape(1, HIDDEN),
                     Wo, bo.reshape(1, 1))

# --- scband reference (transcript-rebuilt; emitter-appended) ---
"""Pipeline reference for scband-output-block-7275674599723 (READ-ONLY COPY).

The authoritative reference and input builder live on the scoring server;
editing this copy changes nothing except your own understanding.
"""

import jax, jax.numpy as jnp
import numpy as np

N_NODES = 10000
N_EDGES = 320000
HIDDEN = 128
NUM_RADIAL = 16
OUT_DIM = 1


def setup_inputs(seed: int = 0) -> dict:
    key = jax.random.key(seed)
    ks = jax.random.split(key, 16)
    h = jax.random.normal(ks[0], (N_NODES, HIDDEN), dtype=jnp.float32)
    radial_basis = jax.random.normal(ks[1], (N_EDGES, NUM_RADIAL), dtype=jnp.float32)
    edge_index = jax.random.randint(ks[2], (2, N_EDGES), 0, N_NODES, dtype=jnp.int64)
    s = 0.05
    W1 = jax.random.normal(ks[3], (NUM_RADIAL, HIDDEN), dtype=jnp.float32) * s
    b1 = jnp.zeros((HIDDEN,), dtype=jnp.float32)
    W2 = jax.random.normal(ks[4], (HIDDEN, HIDDEN), dtype=jnp.float32) * s
    b2 = jnp.zeros((HIDDEN,), dtype=jnp.float32)
    Wd0 = jax.random.normal(ks[5], (HIDDEN, HIDDEN), dtype=jnp.float32) * s
    bd0 = jnp.zeros((HIDDEN,), dtype=jnp.float32)
    Wd1 = jax.random.normal(ks[6], (HIDDEN, HIDDEN), dtype=jnp.float32) * s
    bd1 = jnp.zeros((HIDDEN,), dtype=jnp.float32)
    Wd2 = jax.random.normal(ks[7], (HIDDEN, HIDDEN), dtype=jnp.float32) * s
    bd2 = jnp.zeros((HIDDEN,), dtype=jnp.float32)
    Wo = jax.random.normal(ks[8], (HIDDEN, OUT_DIM), dtype=jnp.float32) * s
    bo = jnp.zeros((OUT_DIM,), dtype=jnp.float32)
    return {"h": h, "radial_basis": radial_basis, "edge_index": edge_index,
            "W1": W1, "b1": b1, "W2": W2, "b2": b2,
            "Wd0": Wd0, "bd0": bd0, "Wd1": Wd1, "bd1": bd1, "Wd2": Wd2, "bd2": bd2,
            "Wo": Wo, "bo": bo}


def reference(h, radial_basis, edge_index, W1, b1, W2, b2, Wd0, bd0, Wd1, bd1, Wd2, bd2, Wo, bo):
    src = edge_index[0]
    dst = edge_index[1]
    # radial_net: Linear -> SiLU -> Linear
    W = jax.nn.silu(radial_basis @ W1 + b1) @ W2 + b2
    # gather source node features
    h_src = jnp.take(h, src, axis=0)
    h_edge = h_src * W
    # scatter-add into destination nodes
    aggregated = jnp.zeros((h.shape[0], h_edge.shape[1]), dtype=h.dtype).at[dst].add(h_edge)
    x = aggregated
    for Wd, bd in ((Wd0, bd0), (Wd1, bd1), (Wd2, bd2)):
        x = jax.nn.silu(x @ Wd + bd)
    return x @ Wo + bo

if __name__ == "__main__":
    import jax
    _d = setup_inputs()
    print(jax.jit(kernel)(*tuple(_d.values())))

</pallas_src>

<mosaic_0001>
#map = affine_map<(d0, d1) -> (0, 0)>
#map1 = affine_map<(d0, d1) -> (0, 0, 0)>
#map2 = affine_map<(d0, d1) -> (0, 0, 0, 0, 0)>
module attributes {stable_mosaic.version = 14 : i64} {
  func.func @_sc_body(%arg0: i32, %arg1: i32, %arg2: memref<10000x128xf32, #tpu.memory_space<hbm>>, %arg3: memref<32x10000x128xf32, #tpu.memory_space<hbm>>, %arg4: memref<2x32x125x1x80xi32, #tpu.memory_space<hbm>>, %arg5: memref<2x10000x128xf32, #tpu.memory_space<hbm>>, %arg6: memref<2x1x80xi32, #tpu.memory_space<vmem>>, %arg7: memref<2x1x80xi32, #tpu.memory_space<vmem>>, %arg8: memref<80x128xf32, #tpu.memory_space<vmem>>, %arg9: memref<80x128xf32, #tpu.memory_space<vmem>>, %arg10: memref<80x128xf32, #tpu.memory_space<vmem>>, %arg11: memref<80x128xf32, #tpu.memory_space<vmem>>, %arg12: memref<10000x128xf32, #tpu.memory_space<vmem_shared>>, %arg13: memref<!tpu.dma_semaphore, #tpu.memory_space<semaphore_mem>>, %arg14: memref<!tpu.dma_semaphore, #tpu.memory_space<semaphore_mem>>, %arg15: memref<!tpu.dma_semaphore, #tpu.memory_space<semaphore_mem>>, %arg16: memref<!tpu.dma_semaphore, #tpu.memory_space<semaphore_mem>>) attributes {dimension_semantics = [#tpu.dimension_semantics<core_parallel>, #tpu.dimension_semantics<subcore_parallel>], iteration_bounds = array<i64: 2, 16>, scalar_prefetch = 0 : i64, scratch_operands = 11 : i64, tpu.core_type = #tpu.core_type<sc_vector_subcore>, window_params = [{transform_indices = #map}, {transform_indices = #map1}, {transform_indices = #map2}, {transform_indices = #map1}]} {
    %mul3A = arith.constant 16 : i32
    %mul3A_0 = arith.muli %arg0, %mul3A : i32
    %add3A = arith.addi %mul3A_0, %arg1 : i32
    %scan3A = arith.constant 0 : i32
    %scan3A_1 = arith.constant 0 : i32
    %scan3A_2 = arith.constant 80 : i32
    %scan3A_3 = arith.addi %scan3A_1, %scan3A_2 : i32
    %scan3A_4 = arith.constant 1 : i32
    scf.for %scan3A_112 = %scan3A_1 to %scan3A_3 step %scan3A_4  : i32 {
      %broadcast_in_dim3A = arith.constant 0.000000e+00 : f32
      %broadcast_in_dim3A_113 = vector.broadcast %broadcast_in_dim3A : f32 to vector<16xf32>
      %swap3A = arith.index_cast %scan3A_112 : i32 to index
      %swap3A_114 = arith.constant 0 : index
      %swap3A_115 = tpu.vector_load %arg8[%swap3A, %swap3A_114] {strides = array<i32>} : memref<80x128xf32, #tpu.memory_space<vmem>>, vector<1x16xf32>,
      %swap3A_116 = vector.shape_cast %swap3A_115 : vector<1x16xf32> to vector<16xf32>
      %swap3A_117 = vector.shape_cast %broadcast_in_dim3A_113 : vector<16xf32> to vector<1x16xf32>
      tpu.vector_store %arg8[%swap3A, %swap3A_114], %swap3A_117 {strides = array<i32>} : memref<80x128xf32, #tpu.memory_space<vmem>>, vector<1x16xf32>,
      %broadcast_in_dim3A_118 = arith.constant 0.000000e+00 : f32
      %broadcast_in_dim3A_119 = vector.broadcast %broadcast_in_dim3A_118 : f32 to vector<16xf32>
      %swap3A_120 = arith.index_cast %scan3A_112 : i32 to index
      %swap3A_121 = arith.constant 16 : index
      %swap3A_122 = tpu.vector_load %arg8[%swap3A_120, %swap3A_121] {strides = array<i32>} : memref<80x128xf32, #tpu.memory_space<vmem>>, vector<1x16xf32>,
      %swap3A_123 = vector.shape_cast %swap3A_122 : vector<1x16xf32> to vector<16xf32>
      %swap3A_124 = vector.shape_cast %broadcast_in_dim3A_119 : vector<16xf32> to vector<1x16xf32>
      tpu.vector_store %arg8[%swap3A_120, %swap3A_121], %swap3A_124 {strides = array<i32>} : memref<80x128xf32, #tpu.memory_space<vmem>>, vector<1x16xf32>,
      %broadcast_in_dim3A_125 = arith.constant 0.000000e+00 : f32
      %broadcast_in_dim3A_126 = vector.broadcast %broadcast_in_dim3A_125 : f32 to vector<16xf32>
      %swap3A_127 = arith.index_cast %scan3A_112 : i32 to index
      %swap3A_128 = arith.constant 32 : index
      %swap3A_129 = tpu.vector_load %arg8[%swap3A_127, %swap3A_128] {strides = array<i32>} : memref<80x128xf32, #tpu.memory_space<vmem>>, vector<1x16xf32>,
      %swap3A_130 = vector.shape_cast %swap3A_129 : vector<1x16xf32> to vector<16xf32>
      %swap3A_131 = vector.shape_cast %broadcast_in_dim3A_126 : vector<16xf32> to vector<1x16xf32>
      tpu.vector_store %arg8[%swap3A_127, %swap3A_128], %swap3A_131 {strides = array<i32>} : memref<80x128xf32, #tpu.memory_space<vmem>>, vector<1x16xf32>,
      %broadcast_in_dim3A_132 = arith.constant 0.000000e+00 : f32
      %broadcast_in_dim3A_133 = vector.broadcast %broadcast_in_dim3A_132 : f32 to vector<16xf32>
      %swap3A_134 = arith.index_cast %scan3A_112 : i32 to index
      %swap3A_135 = arith.constant 48 : index
      %swap3A_136 = tpu.vector_load %arg8[%swap3A_134, %swap3A_135] {strides = array<i32>} : memref<80x128xf32, #tpu.memory_space<vmem>>, vector<1x16xf32>,
      %swap3A_137 = vector.shape_cast %swap3A_136 : vector<1x16xf32> to vector<16xf32>
      %swap3A_138 = vector.shape_cast %broadcast_in_dim3A_133 : vector<16xf32> to vector<1x16xf32>
      tpu.vector_store %arg8[%swap3A_134, %swap3A_135], %swap3A_138 {strides = array<i32>} : memref<80x128xf32, #tpu.memory_space<vmem>>, vector<1x16xf32>,
      %broadcast_in_dim3A_139 = arith.constant 0.000000e+00 : f32
      %broadcast_in_dim3A_140 = vector.broadcast %broadcast_in_dim3A_139 : f32 to vector<16xf32>
      %swap3A_141 = arith.index_cast %scan3A_112 : i32 to index
      %swap3A_142 = arith.constant 64 : index
      %swap3A_143 = tpu.vector_load %arg8[%swap3A_141, %swap3A_142] {strides = array<i32>} : memref<80x128xf32, #tpu.memory_space<vmem>>, vector<1x16xf32>,
      %swap3A_144 = vector.shape_cast %swap3A_143 : vector<1x16xf32> to vector<16xf32>
      %swap3A_145 = vector.shape_cast %broadcast_in_dim3A_140 : vector<16xf32> to vector<1x16xf32>
      tpu.vector_store %arg8[%swap3A_141, %swap3A_142], %swap3A_145 {strides = array<i32>} : memref<80x128xf32, #tpu.memory_space<vmem>>, vector<1x16xf32>,
      %broadcast_in_dim3A_146 = arith.constant 0.000000e+00 : f32
      %broadcast_in_dim3A_147 = vector.broadcast %broadcast_in_dim3A_146 : f32 to vector<16xf32>
      %swap3A_148 = arith.index_cast %scan3A_112 : i32 to index
      %swap3A_149 = arith.constant 80 : index
      %swap3A_150 = tpu.vector_load %arg8[%swap3A_148, %swap3A_149] {strides = array<i32>} : memref<80x128xf32, #tpu.memory_space<vmem>>, vector<1x16xf32>,
      %swap3A_151 = vector.shape_cast %swap3A_150 : vector<1x16xf32> to vector<16xf32>
      %swap3A_152 = vector.shape_cast %broadcast_in_dim3A_147 : vector<16xf32> to vector<1x16xf32>
      tpu.vector_store %arg8[%swap3A_148, %swap3A_149], %swap3A_152 {strides = array<i32>} : memref<80x128xf32, #tpu.memory_space<vmem>>, vector<1x16xf32>,
      %broadcast_in_dim3A_153 = arith.constant 0.000000e+00 : f32
      %broadcast_in_dim3A_154 = vector.broadcast %broadcast_in_dim3A_153 : f32 to vector<16xf32>
      %swap3A_155 = arith.index_cast %scan3A_112 : i32 to index
      %swap3A_156 = arith.constant 96 : index
      %swap3A_157 = tpu.vector_load %arg8[%swap3A_155, %swap3A_156] {strides = array<i32>} : memref<80x128xf32, #tpu.memory_space<vmem>>, vector<1x16xf32>,
      %swap3A_158 = vector.shape_cast %swap3A_157 : vector<1x16xf32> to vector<16xf32>
      %swap3A_159 = vector.shape_cast %broadcast_in_dim3A_154 : vector<16xf32> to vector<1x16xf32>
      tpu.vector_store %arg8[%swap3A_155, %swap3A_156], %swap3A_159 {strides = array<i32>} : memref<80x128xf32, #tpu.memory_space<vmem>>, vector<1x16xf32>,
      %broadcast_in_dim3A_160 = arith.constant 0.000000e+00 : f32
      %broadcast_in_dim3A_161 = vector.broadcast %broadcast_in_dim3A_160 : f32 to vector<16xf32>
      %swap3A_162 = arith.index_cast %scan3A_112 : i32 to index
      %swap3A_163 = arith.constant 112 : index
      %swap3A_164 = tpu.vector_load %arg8[%swap3A_162, %swap3A_163] {strides = array<i32>} : memref<80x128xf32, #tpu.memory_space<vmem>>, vector<1x16xf32>,
      %swap3A_165 = vector.shape_cast %swap3A_164 : vector<1x16xf32> to vector<16xf32>
      %swap3A_166 = vector.shape_cast %broadcast_in_dim3A_161 : vector<16xf32> to vector<1x16xf32>
      tpu.vector_store %arg8[%swap3A_162, %swap3A_163], %swap3A_166 {strides = array<i32>} : memref<80x128xf32, #tpu.memory_space<vmem>>, vector<1x16xf32>,
    }
    %scan3A_5 = arith.constant 80 : i32
    %mul3A_6 = arith.constant 624 : i32
    %mul3A_7 = arith.muli %arg1, %mul3A_6 : i32
    %add3A_8 = arith.constant 0 : i32
    %add3A_9 = arith.addi %mul3A_7, %add3A_8 : i32
    "tpu.region"() ({
      %run_scoped3A_112 = tpu.sem_alloc : memref<!tpu.dma_semaphore, #tpu.memory_space<semaphore_mem>>
      %dma_start3A_113 = arith.constant 0 : i32
      %dma_start3A_114 = arith.constant 0 : i32
      %dma_start3A_115 = tpu.memref_slice %arg8[%dma_start3A_113, %dma_start3A_114] : memref<80x128xf32, #tpu.memory_space<vmem>> -> memref<80x128xf32, #tpu.memory_space<vmem>>
      %dma_start3A_116 = arith.constant 0 : i32
      %dma_start3A_117 = tpu.memref_slice %arg12[%add3A_9, %dma_start3A_116] : memref<10000x128xf32, #tpu.memory_space<vmem_shared>> -> memref<80x128xf32, #tpu.memory_space<vmem_shared>>
      %dma_start3A_118 = arith.constant 0 : i32
      %dma_start3A_119 = tpu.memref_slice %arg12[%add3A_9, %dma_start3A_118] : memref<10000x128xf32, #tpu.memory_space<vmem_shared>> -> memref<80x128xf32, #tpu.memory_space<vmem_shared>>
      %dma_start3A_120 = arith.constant 0 : i32
      %dma_start3A_121 = arith.constant 0 : i32
      %dma_start3A_122 = tpu.memref_slice %arg8[%dma_start3A_120, %dma_start3A_121] : memref<80x128xf32, #tpu.memory_space<vmem>> -> memref<80x128xf32, #tpu.memory_space<vmem>>
      tpu.enqueue_dma source(%dma_start3A_122 : memref<80x128xf32, #tpu.memory_space<vmem>>) target(%dma_start3A_119 : memref<80x128xf32, #tpu.memory_space<vmem_shared>>) target_semaphore(%run_scoped3A_112 : memref<!tpu.dma_semaphore, #tpu.memory_space<semaphore_mem>>)
      %dma_wait3A_123 = arith.constant 0 : i32
      %dma_wait3A_124 = arith.constant 0 : i32
      %dma_wait3A_125 = tpu.memref_slice %arg8[%dma_wait3A_123, %dma_wait3A_124] : memref<80x128xf32, #tpu.memory_space<vmem>> -> memref<80x128xf32, #tpu.memory_space<vmem>>
      %dma_wait3A_126 = arith.constant 0 : i32
      %dma_wait3A_127 = tpu.memref_slice %arg12[%add3A_9, %dma_wait3A_126] : memref<10000x128xf32, #tpu.memory_space<vmem_shared>> -> memref<80x128xf32, #tpu.memory_space<vmem_shared>>
      %dma_wait3A_128 = arith.constant 0 : i32
      %dma_wait3A_129 = tpu.memref_slice %arg12[%add3A_9, %dma_wait3A_128] : memref<10000x128xf32, #tpu.memory_space<vmem_shared>> -> memref<80x128xf32, #tpu.memory_space<vmem_shared>>
      %dma_wait3A_130 = arith.constant 0 : i32
      %dma_wait3A_131 = arith.constant 0 : i32
      %dma_wait3A_132 = tpu.memref_slice %arg8[%dma_wait3A_130, %dma_wait3A_131] : memref<80x128xf32, #tpu.memory_space<vmem>> -> memref<80x128xf32, #tpu.memory_space<vmem>>
      tpu.wait_dma2 semaphore(%run_scoped3A_112 : memref<!tpu.dma_semaphore, #tpu.memory_space<semaphore_mem>>) src(%dma_wait3A_132 : memref<80x128xf32, #tpu.memory_space<vmem>>) dst(%dma_wait3A_129 : memref<80x128xf32, #tpu.memory_space<vmem_shared>>)
      tpu.yield
    }) : () -> ()
    %add3A_10 = arith.constant 80 : i32
    %add3A_11 = arith.addi %mul3A_7, %add3A_10 : i32
    "tpu.region"() ({
      %run_scoped3A_112 = tpu.sem_alloc : memref<!tpu.dma_semaphore, #tpu.memory_space<semaphore_mem>>
      %dma_start3A_113 = arith.constant 0 : i32
      %dma_start3A_114 = arith.constant 0 : i32
      %dma_start3A_115 = tpu.memref_slice %arg8[%dma_start3A_113, %dma_start3A_114] : memref<80x128xf32, #tpu.memory_space<vmem>> -> memref<80x128xf32, #tpu.memory_space<vmem>>
      %dma_start3A_116 = arith.constant 0 : i32
      %dma_start3A_117 = tpu.memref_slice %arg12[%add3A_11, %dma_start3A_116] : memref<10000x128xf32, #tpu.memory_space<vmem_shared>> -> memref<80x128xf32, #tpu.memory_space<vmem_shared>>
      %dma_start3A_118 = arith.constant 0 : i32
      %dma_start3A_119 = tpu.memref_slice %arg12[%add3A_11, %dma_start3A_118] : memref<10000x128xf32, #tpu.memory_space<vmem_shared>> -> memref<80x128xf32, #tpu.memory_space<vmem_shared>>
      %dma_start3A_120 = arith.constant 0 : i32
      %dma_start3A_121 = arith.constant 0 : i32
      %dma_start3A_122 = tpu.memref_slice %arg8[%dma_start3A_120, %dma_start3A_121] : memref<80x128xf32, #tpu.memory_space<vmem>> -> memref<80x128xf32, #tpu.memory_space<vmem>>
      tpu.enqueue_dma source(%dma_start3A_122 : memref<80x128xf32, #tpu.memory_space<vmem>>) target(%dma_start3A_119 : memref<80x128xf32, #tpu.memory_space<vmem_shared>>) target_semaphore(%run_scoped3A_112 : memref<!tpu.dma_semaphore, #tpu.memory_space<semaphore_mem>>)
      %dma_wait3A_123 = arith.constant 0 : i32
      %dma_wait3A_124 = arith.constant 0 : i32
      %dma_wait3A_125 = tpu.memref_slice %arg8[%dma_wait3A_123, %dma_wait3A_124] : memref<80x128xf32, #tpu.memory_space<vmem>> -> memref<80x128xf32, #tpu.memory_space<vmem>>
      %dma_wait3A_126 = arith.constant 0 : i32
      %dma_wait3A_127 = tpu.memref_slice %arg12[%add3A_11, %dma_wait3A_126] : memref<10000x128xf32, #tpu.memory_space<vmem_shared>> -> memref<80x128xf32, #tpu.memory_space<vmem_shared>>
      %dma_wait3A_128 = arith.constant 0 : i32
      %dma_wait3A_129 = tpu.memref_slice %arg12[%add3A_11, %dma_wait3A_128] : memref<10000x128xf32, #tpu.memory_space<vmem_shared>> -> memref<80x128xf32, #tpu.memory_space<vmem_shared>>
      %dma_wait3A_130 = arith.constant 0 : i32
      %dma_wait3A_131 = arith.constant 0 : i32
      %dma_wait3A_132 = tpu.memref_slice %arg8[%dma_wait3A_130, %dma_wait3A_131] : memref<80x128xf32, #tpu.memory_space<vmem>> -> memref<80x128xf32, #tpu.memory_space<vmem>>
      tpu.wait_dma2 semaphore(%run_scoped3A_112 : memref<!tpu.dma_semaphore, #tpu.memory_space<semaphore_mem>>) src(%dma_wait3A_132 : memref<80x128xf32, #tpu.memory_space<vmem>>) dst(%dma_wait3A_129 : memref<80x128xf32, #tpu.memory_space<vmem_shared>>)
      tpu.yield
    }) : () -> ()
    %add3A_12 = arith.constant 160 : i32
    %add3A_13 = arith.addi %mul3A_7, %add3A_12 : i32
    "tpu.region"() ({
      %run_scoped3A_112 = tpu.sem_alloc : memref<!tpu.dma_semaphore, #tpu.memory_space<semaphore_mem>>
      %dma_start3A_113 = arith.constant 0 : i32
      %dma_start3A_114 = arith.constant 0 : i32
      %dma_start3A_115 = tpu.memref_slice %arg8[%dma_start3A_113, %dma_start3A_114] : memref<80x128xf32, #tpu.memory_space<vmem>> -> memref<80x128xf32, #tpu.memory_space<vmem>>
      %dma_start3A_116 = arith.constant 0 : i32
      %dma_start3A_117 = tpu.memref_slice %arg12[%add3A_13, %dma_start3A_116] : memref<10000x128xf32, #tpu.memory_space<vmem_shared>> -> memref<80x128xf32, #tpu.memory_space<vmem_shared>>
      %dma_start3A_118 = arith.constant 0 : i32
      %dma_start3A_119 = tpu.memref_slice %arg12[%add3A_13, %dma_start3A_118] : memref<10000x128xf32, #tpu.memory_space<vmem_shared>> -> memref<80x128xf32, #tpu.memory_space<vmem_shared>>
      %dma_start3A_120 = arith.constant 0 : i32
      %dma_start3A_121 = arith.constant 0 : i32
      %dma_start3A_122 = tpu.memref_slice %arg8[%dma_start3A_120, %dma_start3A_121] : memref<80x128xf32, #tpu.memory_space<vmem>> -> memref<80x128xf32, #tpu.memory_space<vmem>>
      tpu.enqueue_dma source(%dma_start3A_122 : memref<80x128xf32, #tpu.memory_space<vmem>>) target(%dma_start3A_119 : memref<80x128xf32, #tpu.memory_space<vmem_shared>>) target_semaphore(%run_scoped3A_112 : memref<!tpu.dma_semaphore, #tpu.memory_space<semaphore_mem>>)
      %dma_wait3A_123 = arith.constant 0 : i32
      %dma_wait3A_124 = arith.constant 0 : i32
      %dma_wait3A_125 = tpu.memref_slice %arg8[%dma_wait3A_123, %dma_wait3A_124] : memref<80x128xf32, #tpu.memory_space<vmem>> -> memref<80x128xf32, #tpu.memory_space<vmem>>
      %dma_wait3A_126 = arith.constant 0 : i32
      %dma_wait3A_127 = tpu.memref_slice %arg12[%add3A_13, %dma_wait3A_126] : memref<10000x128xf32, #tpu.memory_space<vmem_shared>> -> memref<80x128xf32, #tpu.memory_space<vmem_shared>>
      %dma_wait3A_128 = arith.constant 0 : i32
      %dma_wait3A_129 = tpu.memref_slice %arg12[%add3A_13, %dma_wait3A_128] : memref<10000x128xf32, #tpu.memory_space<vmem_shared>> -> memref<80x128xf32, #tpu.memory_space<vmem_shared>>
      %dma_wait3A_130 = arith.constant 0 : i32
      %dma_wait3A_131 = arith.constant 0 : i32
      %dma_wait3A_132 = tpu.memref_slice %arg8[%dma_wait3A_130, %dma_wait3A_131] : memref<80x128xf32, #tpu.memory_space<vmem>> -> memref<80x128xf32, #tpu.memory_space<vmem>>
      tpu.wait_dma2 semaphore(%run_scoped3A_112 : memref<!tpu.dma_semaphore, #tpu.memory_space<semaphore_mem>>) src(%dma_wait3A_132 : memref<80x128xf32, #tpu.memory_space<vmem>>) dst(%dma_wait3A_129 : memref<80x128xf32, #tpu.memory_space<vmem_shared>>)
      tpu.yield
    }) : () -> ()
    %add3A_14 = arith.constant 240 : i32
    %add3A_15 = arith.addi %mul3A_7, %add3A_14 : i32
    "tpu.region"() ({
      %run_scoped3A_112 = tpu.sem_alloc : memref<!tpu.dma_semaphore, #tpu.memory_space<semaphore_mem>>
      %dma_start3A_113 = arith.constant 0 : i32
      %dma_start3A_114 = arith.constant 0 : i32
      %dma_start3A_115 = tpu.memref_slice %arg8[%dma_start3A_113, %dma_start3A_114] : memref<80x128xf32, #tpu.memory_space<vmem>> -> memref<80x128xf32, #tpu.memory_space<vmem>>
      %dma_start3A_116 = arith.constant 0 : i32
      %dma_start3A_117 = tpu.memref_slice %arg12[%add3A_15, %dma_start3A_116] : memref<10000x128xf32, #tpu.memory_space<vmem_shared>> -> memref<80x128xf32, #tpu.memory_space<vmem_shared>>
      %dma_start3A_118 = arith.constant 0 : i32
      %dma_start3A_119 = tpu.memref_slice %arg12[%add3A_15, %dma_start3A_118] : memref<10000x128xf32, #tpu.memory_space<vmem_shared>> -> memref<80x128xf32, #tpu.memory_space<vmem_shared>>
      %dma_start3A_120 = arith.constant 0 : i32
      %dma_start3A_121 = arith.constant 0 : i32
      %dma_start3A_122 = tpu.memref_slice %arg8[%dma_start3A_120, %dma_start3A_121] : memref<80x128xf32, #tpu.memory_space<vmem>> -> memref<80x128xf32, #tpu.memory_space<vmem>>
      tpu.enqueue_dma source(%dma_start3A_122 : memref<80x128xf32, #tpu.memory_space<vmem>>) target(%dma_start3A_119 : memref<80x128xf32, #tpu.memory_space<vmem_shared>>) target_semaphore(%run_scoped3A_112 : memref<!tpu.dma_semaphore, #tpu.memory_space<semaphore_mem>>)
      %dma_wait3A_123 = arith.constant 0 : i32
      %dma_wait3A_124 = arith.constant 0 : i32
      %dma_wait3A_125 = tpu.memref_slice %arg8[%dma_wait3A_123, %dma_wait3A_124] : memref<80x128xf32, #tpu.memory_space<vmem>> -> memref<80x128xf32, #tpu.memory_space<vmem>>
      %dma_wait3A_126 = arith.constant 0 : i32
      %dma_wait3A_127 = tpu.memref_slice %arg12[%add3A_15, %dma_wait3A_126] : memref<10000x128xf32, #tpu.memory_space<vmem_shared>> -> memref<80x128xf32, #tpu.memory_space<vmem_shared>>
      %dma_wait3A_128 = arith.constant 0 : i32
      %dma_wait3A_129 = tpu.memref_slice %arg12[%add3A_15, %dma_wait3A_128] : memref<10000x128xf32, #tpu.memory_space<vmem_shared>> -> memref<80x128xf32, #tpu.memory_space<vmem_shared>>
      %dma_wait3A_130 = arith.constant 0 : i32
      %dma_wait3A_131 = arith.constant 0 : i32
      %dma_wait3A_132 = tpu.memref_slice %arg8[%dma_wait3A_130, %dma_wait3A_131] : memref<80x128xf32, #tpu.memory_space<vmem>> -> memref<80x128xf32, #tpu.memory_space<vmem>>
      tpu.wait_dma2 semaphore(%run_scoped3A_112 : memref<!tpu.dma_semaphore, #tpu.memory_space<semaphore_mem>>) src(%dma_wait3A_132 : memref<80x128xf32, #tpu.memory_space<vmem>>) dst(%dma_wait3A_129 : memref<80x128xf32, #tpu.memory_space<vmem_shared>>)
      tpu.yield
    }) : () -> ()
    %add3A_16 = arith.constant 320 : i32
    %add3A_17 = arith.addi %mul3A_7, %add3A_16 : i32
    "tpu.region"() ({
      %run_scoped3A_112 = tpu.sem_alloc : memref<!tpu.dma_semaphore, #tpu.memory_space<semaphore_mem>>
      %dma_start3A_113 = arith.constant 0 : i32
      %dma_start3A_114 = arith.constant 0 : i32
      %dma_start3A_115 = tpu.memref_slice %arg8[%dma_start3A_113, %dma_start3A_114] : memref<80x128xf32, #tpu.memory_space<vmem>> -> memref<80x128xf32, #tpu.memory_space<vmem>>
      %dma_start3A_116 = arith.constant 0 : i32
      %dma_start3A_117 = tpu.memref_slice %arg12[%add3A_17, %dma_start3A_116] : memref<10000x128xf32, #tpu.memory_space<vmem_shared>> -> memref<80x128xf32, #tpu.memory_space<vmem_shared>>
      %dma_start3A_118 = arith.constant 0 : i32
      %dma_start3A_119 = tpu.memref_slice %arg12[%add3A_17, %dma_start3A_118] : memref<10000x128xf32, #tpu.memory_space<vmem_shared>> -> memref<80x128xf32, #tpu.memory_space<vmem_shared>>
      %dma_start3A_120 = arith.constant 0 : i32
      %dma_start3A_121 = arith.constant 0 : i32
      %dma_start3A_122 = tpu.memref_slice %arg8[%dma_start3A_120, %dma_start3A_121] : memref<80x128xf32, #tpu.memory_space<vmem>> -> memref<80x128xf32, #tpu.memory_space<vmem>>
      tpu.enqueue_dma source(%dma_start3A_122 : memref<80x128xf32, #tpu.memory_space<vmem>>) target(%dma_start3A_119 : memref<80x128xf32, #tpu.memory_space<vmem_shared>>) target_semaphore(%run_scoped3A_112 : memref<!tpu.dma_semaphore, #tpu.memory_space<semaphore_mem>>)
      %dma_wait3A_123 = arith.constant 0 : i32
      %dma_wait3A_124 = arith.constant 0 : i32
      %dma_wait3A_125 = tpu.memref_slice %arg8[%dma_wait3A_123, %dma_wait3A_124] : memref<80x128xf32, #tpu.memory_space<vmem>> -> memref<80x128xf32, #tpu.memory_space<vmem>>
      %dma_wait3A_126 = arith.constant 0 : i32
      %dma_wait3A_127 = tpu.memref_slice %arg12[%add3A_17, %dma_wait3A_126] : memref<10000x128xf32, #tpu.memory_space<vmem_shared>> -> memref<80x128xf32, #tpu.memory_space<vmem_shared>>
      %dma_wait3A_128 = arith.constant 0 : i32
      %dma_wait3A_129 = tpu.memref_slice %arg12[%add3A_17, %dma_wait3A_128] : memref<10000x128xf32, #tpu.memory_space<vmem_shared>> -> memref<80x128xf32, #tpu.memory_space<vmem_shared>>
      %dma_wait3A_130 = arith.constant 0 : i32
      %dma_wait3A_131 = arith.constant 0 : i32
      %dma_wait3A_132 = tpu.memref_slice %arg8[%dma_wait3A_130, %dma_wait3A_131] : memref<80x128xf32, #tpu.memory_space<vmem>> -> memref<80x128xf32, #tpu.memory_space<vmem>>
      tpu.wait_dma2 semaphore(%run_scoped3A_112 : memref<!tpu.dma_semaphore, #tpu.memory_space<semaphore_mem>>) src(%dma_wait3A_132 : memref<80x128xf32, #tpu.memory_space<vmem>>) dst(%dma_wait3A_129 : memref<80x128xf32, #tpu.memory_space<vmem_shared>>)
      tpu.yield
    }) : () -> ()
    %add3A_18 = arith.constant 400 : i32
    %add3A_19 = arith.addi %mul3A_7, %add3A_18 : i32
    "tpu.region"() ({
      %run_scoped3A_112 = tpu.sem_alloc : memref<!tpu.dma_semaphore, #tpu.memory_space<semaphore_mem>>
      %dma_start3A_113 = arith.constant 0 : i32
      %dma_start3A_114 = arith.constant 0 : i32
      %dma_start3A_115 = tpu.memref_slice %arg8[%dma_start3A_113, %dma_start3A_114] : memref<80x128xf32, #tpu.memory_space<vmem>> -> memref<80x128xf32, #tpu.memory_space<vmem>>
      %dma_start3A_116 = arith.constant 0 : i32
      %dma_start3A_117 = tpu.memref_slice %arg12[%add3A_19, %dma_start3A_116] : memref<10000x128xf32, #tpu.memory_space<vmem_shared>> -> memref<80x128xf32, #tpu.memory_space<vmem_shared>>
      %dma_start3A_118 = arith.constant 0 : i32
      %dma_start3A_119 = tpu.memref_slice %arg12[%add3A_19, %dma_start3A_118] : memref<10000x128xf32, #tpu.memory_space<vmem_shared>> -> memref<80x128xf32, #tpu.memory_space<vmem_shared>>
      %dma_start3A_120 = arith.constant 0 : i32
      %dma_start3A_121 = arith.constant 0 : i32
      %dma_start3A_122 = tpu.memref_slice %arg8[%dma_start3A_120, %dma_start3A_121] : memref<80x128xf32, #tpu.memory_space<vmem>> -> memref<80x128xf32, #tpu.memory_space<vmem>>
      tpu.enqueue_dma source(%dma_start3A_122 : memref<80x128xf32, #tpu.memory_space<vmem>>) target(%dma_start3A_119 : memref<80x128xf32, #tpu.memory_space<vmem_shared>>) target_semaphore(%run_scoped3A_112 : memref<!tpu.dma_semaphore, #tpu.memory_space<semaphore_mem>>)
      %dma_wait3A_123 = arith.constant 0 : i32
      %dma_wait3A_124 = arith.constant 0 : i32
      %dma_wait3A_125 = tpu.memref_slice %arg8[%dma_wait3A_123, %dma_wait3A_124] : memref<80x128xf32, #tpu.memory_space<vmem>> -> memref<80x128xf32, #tpu.memory_space<vmem>>
      %dma_wait3A_126 = arith.constant 0 : i32
      %dma_wait3A_127 = tpu.memref_slice %arg12[%add3A_19, %dma_wait3A_126] : memref<10000x128xf32, #tpu.memory_space<vmem_shared>> -> memref<80x128xf32, #tpu.memory_space<vmem_shared>>
      %dma_wait3A_128 = arith.constant 0 : i32
      %dma_wait3A_129 = tpu.memref_slice %arg12[%add3A_19, %dma_wait3A_128] : memref<10000x128xf32, #tpu.memory_space<vmem_shared>> -> memref<80x128xf32, #tpu.memory_space<vmem_shared>>
      %dma_wait3A_130 = arith.constant 0 : i32
      %dma_wait3A_131 = arith.constant 0 : i32
      %dma_wait3A_132 = tpu.memref_slice %arg8[%dma_wait3A_130, %dma_wait3A_131] : memref<80x128xf32, #tpu.memory_space<vmem>> -> memref<80x128xf32, #tpu.memory_space<vmem>>
      tpu.wait_dma2 semaphore(%run_scoped3A_112 : memref<!tpu.dma_semaphore, #tpu.memory_space<semaphore_mem>>) src(%dma_wait3A_132 : memref<80x128xf32, #tpu.memory_space<vmem>>) dst(%dma_wait3A_129 : memref<80x128xf32, #tpu.memory_space<vmem_shared>>)
      tpu.yield
    }) : () -> ()
    %add3A_20 = arith.constant 480 : i32
    %add3A_21 = arith.addi %mul3A_7, %add3A_20 : i32
    "tpu.region"() ({
      %run_scoped3A_112 = tpu.sem_alloc : memref<!tpu.dma_semaphore, #tpu.memory_space<semaphore_mem>>
      %dma_start3A_113 = arith.constant 0 : i32
      %dma_start3A_114 = arith.constant 0 : i32
      %dma_start3A_115 = tpu.memref_slice %arg8[%dma_start3A_113, %dma_start3A_114] : memref<80x128xf32, #tpu.memory_space<vmem>> -> memref<80x128xf32, #tpu.memory_space<vmem>>
      %dma_start3A_116 = arith.constant 0 : i32
      %dma_start3A_117 = tpu.memref_slice %arg12[%add3A_21, %dma_start3A_116] : memref<10000x128xf32, #tpu.memory_space<vmem_shared>> -> memref<80x128xf32, #tpu.memory_space<vmem_shared>>
      %dma_start3A_118 = arith.constant 0 : i32
      %dma_start3A_119 = tpu.memref_slice %arg12[%add3A_21, %dma_start3A_118] : memref<10000x128xf32, #tpu.memory_space<vmem_shared>> -> memref<80x128xf32, #tpu.memory_space<vmem_shared>>
      %dma_start3A_120 = arith.constant 0 : i32
      %dma_start3A_121 = arith.constant 0 : i32
      %dma_start3A_122 = tpu.memref_slice %arg8[%dma_start3A_120, %dma_start3A_121] : memref<80x128xf32, #tpu.memory_space<vmem>> -> memref<80x128xf32, #tpu.memory_space<vmem>>
      tpu.enqueue_dma source(%dma_start3A_122 : memref<80x128xf32, #tpu.memory_space<vmem>>) target(%dma_start3A_119 : memref<80x128xf32, #tpu.memory_space<vmem_shared>>) target_semaphore(%run_scoped3A_112 : memref<!tpu.dma_semaphore, #tpu.memory_space<semaphore_mem>>)
      %dma_wait3A_123 = arith.constant 0 : i32
      %dma_wait3A_124 = arith.constant 0 : i32
      %dma_wait3A_125 = tpu.memref_slice %arg8[%dma_wait3A_123, %dma_wait3A_124] : memref<80x128xf32, #tpu.memory_space<vmem>> -> memref<80x128xf32, #tpu.memory_space<vmem>>
      %dma_wait3A_126 = arith.constant 0 : i32
      %dma_wait3A_127 = tpu.memref_slice %arg12[%add3A_21, %dma_wait3A_126] : memref<10000x128xf32, #tpu.memory_space<vmem_shared>> -> memref<80x128xf32, #tpu.memory_space<vmem_shared>>
      %dma_wait3A_128 = arith.constant 0 : i32
      %dma_wait3A_129 = tpu.memref_slice %arg12[%add3A_21, %dma_wait3A_128] : memref<10000x128xf32, #tpu.memory_space<vmem_shared>> -> memref<80x128xf32, #tpu.memory_space<vmem_shared>>
      %dma_wait3A_130 = arith.constant 0 : i32
      %dma_wait3A_131 = arith.constant 0 : i32
      %dma_wait3A_132 = tpu.memref_slice %arg8[%dma_wait3A_130, %dma_wait3A_131] : memref<80x128xf32, #tpu.memory_space<vmem>> -> memref<80x128xf32, #tpu.memory_space<vmem>>
      tpu.wait_dma2 semaphore(%run_scoped3A_112 : memref<!tpu.dma_semaphore, #tpu.memory_space<semaphore_mem>>) src(%dma_wait3A_132 : memref<80x128xf32, #tpu.memory_space<vmem>>) dst(%dma_wait3A_129 : memref<80x128xf32, #tpu.memory_space<vmem_shared>>)
      tpu.yield
    }) : () -> ()
    %add3A_22 = arith.constant 624 : i32
    %add3A_23 = arith.addi %mul3A_7, %add3A_22 : i32
    %sub3A = arith.constant 64 : i32
    %sub3A_24 = arith.subi %add3A_23, %sub3A : i32
    "tpu.region"() ({
      %run_scoped3A_112 = tpu.sem_alloc : memref<!tpu.dma_semaphore, #tpu.memory_space<semaphore_mem>>
      %dma_start3A_113 = arith.constant 0 : i32
      %dma_start3A_114 = arith.constant 0 : i32
      %dma_start3A_115 = tpu.memref_slice %arg8[%dma_start3A_113, %dma_start3A_114] : memref<80x128xf32, #tpu.memory_space<vmem>> -> memref<64x128xf32, #tpu.memory_space<vmem>>
      %dma_start3A_116 = arith.constant 0 : i32
      %dma_start3A_117 = tpu.memref_slice %arg12[%sub3A_24, %dma_start3A_116] : memref<10000x128xf32, #tpu.memory_space<vmem_shared>> -> memref<64x128xf32, #tpu.memory_space<vmem_shared>>
      %dma_start3A_118 = arith.constant 0 : i32
      %dma_start3A_119 = tpu.memref_slice %arg12[%sub3A_24, %dma_start3A_118] : memref<10000x128xf32, #tpu.memory_space<vmem_shared>> -> memref<64x128xf32, #tpu.memory_space<vmem_shared>>
      %dma_start3A_120 = arith.constant 0 : i32
      %dma_start3A_121 = arith.constant 0 : i32
      %dma_start3A_122 = tpu.memref_slice %arg8[%dma_start3A_120, %dma_start3A_121] : memref<80x128xf32, #tpu.memory_space<vmem>> -> memref<64x128xf32, #tpu.memory_space<vmem>>
      tpu.enqueue_dma source(%dma_start3A_122 : memref<64x128xf32, #tpu.memory_space<vmem>>) target(%dma_start3A_119 : memref<64x128xf32, #tpu.memory_space<vmem_shared>>) target_semaphore(%run_scoped3A_112 : memref<!tpu.dma_semaphore, #tpu.memory_space<semaphore_mem>>)
      %dma_wait3A_123 = arith.constant 0 : i32
      %dma_wait3A_124 = arith.constant 0 : i32
      %dma_wait3A_125 = tpu.memref_slice %arg8[%dma_wait3A_123, %dma_wait3A_124] : memref<80x128xf32, #tpu.memory_space<vmem>> -> memref<64x128xf32, #tpu.memory_space<vmem>>
      %dma_wait3A_126 = arith.constant 0 : i32
      %dma_wait3A_127 = tpu.memref_slice %arg12[%sub3A_24, %dma_wait3A_126] : memref<10000x128xf32, #tpu.memory_space<vmem_shared>> -> memref<64x128xf32, #tpu.memory_space<vmem_shared>>
      %dma_wait3A_128 = arith.constant 0 : i32
      %dma_wait3A_129 = tpu.memref_slice %arg12[%sub3A_24, %dma_wait3A_128] : memref<10000x128xf32, #tpu.memory_space<vmem_shared>> -> memref<64x128xf32, #tpu.memory_space<vmem_shared>>
      %dma_wait3A_130 = arith.constant 0 : i32
      %dma_wait3A_131 = arith.constant 0 : i32
      %dma_wait3A_132 = tpu.memref_slice %arg8[%dma_wait3A_130, %dma_wait3A_131] : memref<80x128xf32, #tpu.memory_space<vmem>> -> memref<64x128xf32, #tpu.memory_space<vmem>>
      tpu.wait_dma2 semaphore(%run_scoped3A_112 : memref<!tpu.dma_semaphore, #tpu.memory_space<semaphore_mem>>) src(%dma_wait3A_132 : memref<64x128xf32, #tpu.memory_space<vmem>>) dst(%dma_wait3A_129 : memref<64x128xf32, #tpu.memory_space<vmem_shared>>)
      tpu.yield
    }) : () -> ()
    %eq3A = arith.constant 15 : i32
    %eq3A_25 = arith.cmpi eq, %arg1, %eq3A : i32
    %convert_element_type3A = arith.extui %eq3A_25 : i1 to i32
    %cond3A = arith.constant 0 : i32
    %cond3A_26 = arith.cmpi ne, %convert_element_type3A, %cond3A : i32
    scf.if %cond3A_26 {
      "tpu.region"() ({
        %run_scoped3A_112 = tpu.sem_alloc : memref<!tpu.dma_semaphore, #tpu.memory_space<semaphore_mem>>
        %dma_start3A_113 = arith.constant 0 : i32
        %dma_start3A_114 = arith.constant 0 : i32
        %dma_start3A_115 = tpu.memref_slice %arg8[%dma_start3A_113, %dma_start3A_114] : memref<80x128xf32, #tpu.memory_space<vmem>> -> memref<16x128xf32, #tpu.memory_space<vmem>>
        %dma_start3A_116 = arith.constant 9984 : i32
        %dma_start3A_117 = arith.constant 0 : i32
        %dma_start3A_118 = tpu.memref_slice %arg12[%dma_start3A_116, %dma_start3A_117] : memref<10000x128xf32, #tpu.memory_space<vmem_shared>> -> memref<16x128xf32, #tpu.memory_space<vmem_shared>>
        %dma_start3A_119 = arith.constant 9984 : i32
        %dma_start3A_120 = arith.constant 0 : i32
        %dma_start3A_121 = tpu.memref_slice %arg12[%dma_start3A_119, %dma_start3A_120] : memref<10000x128xf32, #tpu.memory_space<vmem_shared>> -> memref<16x128xf32, #tpu.memory_space<vmem_shared>>
        %dma_start3A_122 = arith.constant 0 : i32
        %dma_start3A_123 = arith.constant 0 : i32
        %dma_start3A_124 = tpu.memref_slice %arg8[%dma_start3A_122, %dma_start3A_123] : memref<80x128xf32, #tpu.memory_space<vmem>> -> memref<16x128xf32, #tpu.memory_space<vmem>>
        tpu.enqueue_dma source(%dma_start3A_124 : memref<16x128xf32, #tpu.memory_space<vmem>>) target(%dma_start3A_121 : memref<16x128xf32, #tpu.memory_space<vmem_shared>>) target_semaphore(%run_scoped3A_112 : memref<!tpu.dma_semaphore, #tpu.memory_space<semaphore_mem>>)
        %dma_wait3A_125 = arith.constant 0 : i32
        %dma_wait3A_126 = arith.constant 0 : i32
        %dma_wait3A_127 = tpu.memref_slice %arg8[%dma_wait3A_125, %dma_wait3A_126] : memref<80x128xf32, #tpu.memory_space<vmem>> -> memref<16x128xf32, #tpu.memory_space<vmem>>
        %dma_wait3A_128 = arith.constant 9984 : i32
        %dma_wait3A_129 = arith.constant 0 : i32
        %dma_wait3A_130 = tpu.memref_slice %arg12[%dma_wait3A_128, %dma_wait3A_129] : memref<10000x128xf32, #tpu.memory_space<vmem_shared>> -> memref<16x128xf32, #tpu.memory_space<vmem_shared>>
        %dma_wait3A_131 = arith.constant 9984 : i32
        %dma_wait3A_132 = arith.constant 0 : i32
        %dma_wait3A_133 = tpu.memref_slice %arg12[%dma_wait3A_131, %dma_wait3A_132] : memref<10000x128xf32, #tpu.memory_space<vmem_shared>> -> memref<16x128xf32, #tpu.memory_space<vmem_shared>>
        %dma_wait3A_134 = arith.constant 0 : i32
        %dma_wait3A_135 = arith.constant 0 : i32
        %dma_wait3A_136 = tpu.memref_slice %arg8[%dma_wait3A_134, %dma_wait3A_135] : memref<80x128xf32, #tpu.memory_space<vmem>> -> memref<16x128xf32, #tpu.memory_space<vmem>>
        tpu.wait_dma2 semaphore(%run_scoped3A_112 : memref<!tpu.dma_semaphore, #tpu.memory_space<semaphore_mem>>) src(%dma_wait3A_136 : memref<16x128xf32, #tpu.memory_space<vmem>>) dst(%dma_wait3A_133 : memref<16x128xf32, #tpu.memory_space<vmem_shared>>)
        tpu.yield
      }) : () -> ()
    } else {
    }
    %run_scoped3A = arith.constant 0 : i32
    "tpu.region"() ({
      %run_scoped3A_112 = tpu.sem_alloc : memref<!tpu.dma_semaphore, #tpu.memory_space<semaphore_mem>>
      %dma_start3A_113 = arith.constant 0 : i32
      %dma_start3A_114 = arith.constant 0 : i32
      %dma_start3A_115 = arith.constant 0 : i32
      %dma_start3A_116 = tpu.memref_slice %arg4[%dma_start3A_113, %add3A, %run_scoped3A, %dma_start3A_114, %dma_start3A_115] : memref<2x32x125x1x80xi32, #tpu.memory_space<hbm>> -> memref<2x1x1x1x80xi32, #tpu.memory_space<hbm>>
      %dma_start3A_117 = tpu.memref_squeeze %dma_start3A_116 : memref<2x1x1x1x80xi32, #tpu.memory_space<hbm>> -> memref<2x1x80xi32, #tpu.memory_space<hbm>>
      %dma_start3A_118 = arith.constant 0 : i32
      %dma_start3A_119 = arith.constant 0 : i32
      %dma_start3A_120 = arith.constant 0 : i32
      %dma_start3A_121 = tpu.memref_slice %arg4[%dma_start3A_118, %add3A, %run_scoped3A, %dma_start3A_119, %dma_start3A_120] : memref<2x32x125x1x80xi32, #tpu.memory_space<hbm>> -> memref<2x1x1x1x80xi32, #tpu.memory_space<hbm>>
      %dma_start3A_122 = tpu.memref_squeeze %dma_start3A_121 : memref<2x1x1x1x80xi32, #tpu.memory_space<hbm>> -> memref<2x1x80xi32, #tpu.memory_space<hbm>>
      tpu.enqueue_dma source(%dma_start3A_122 : memref<2x1x80xi32, #tpu.memory_space<hbm>>) target(%arg6 : memref<2x1x80xi32, #tpu.memory_space<vmem>>) target_semaphore(%run_scoped3A_112 : memref<!tpu.dma_semaphore, #tpu.memory_space<semaphore_mem>>)
      %dma_wait3A_123 = arith.constant 0 : i32
      %dma_wait3A_124 = arith.constant 0 : i32
      %dma_wait3A_125 = arith.constant 0 : i32
      %dma_wait3A_126 = tpu.memref_slice %arg4[%dma_wait3A_123, %add3A, %run_scoped3A, %dma_wait3A_124, %dma_wait3A_125] : memref<2x32x125x1x80xi32, #tpu.memory_space<hbm>> -> memref<2x1x1x1x80xi32, #tpu.memory_space<hbm>>
      %dma_wait3A_127 = tpu.memref_squeeze %dma_wait3A_126 : memref<2x1x1x1x80xi32, #tpu.memory_space<hbm>> -> memref<2x1x80xi32, #tpu.memory_space<hbm>>
      %dma_wait3A_128 = arith.constant 0 : i32
      %dma_wait3A_129 = arith.constant 0 : i32
      %dma_wait3A_130 = arith.constant 0 : i32
      %dma_wait3A_131 = tpu.memref_slice %arg4[%dma_wait3A_128, %add3A, %run_scoped3A, %dma_wait3A_129, %dma_wait3A_130] : memref<2x32x125x1x80xi32, #tpu.memory_space<hbm>> -> memref<2x1x1x1x80xi32, #tpu.memory_space<hbm>>
      %dma_wait3A_132 = tpu.memref_squeeze %dma_wait3A_131 : memref<2x1x1x1x80xi32, #tpu.memory_space<hbm>> -> memref<2x1x80xi32, #tpu.memory_space<hbm>>
      tpu.wait_dma2 semaphore(%run_scoped3A_112 : memref<!tpu.dma_semaphore, #tpu.memory_space<semaphore_mem>>) src(%dma_wait3A_132 : memref<2x1x80xi32, #tpu.memory_space<hbm>>) dst(%arg6 : memref<2x1x80xi32, #tpu.memory_space<vmem>>)
      tpu.yield
    }) : () -> ()
    %dma_start3A = arith.constant 0 : i32
    %dma_start3A_27 = arith.constant 0 : i32
    %dma_start3A_28 = arith.constant 0 : i32
    %dma_start3A_29 = tpu.memref_slice %arg6[%dma_start3A, %dma_start3A_27, %dma_start3A_28] : memref<2x1x80xi32, #tpu.memory_space<vmem>> -> memref<1x1x80xi32, #tpu.memory_space<vmem>>
    %dma_start3A_30 = tpu.memref_squeeze %dma_start3A_29 : memref<1x1x80xi32, #tpu.memory_space<vmem>> -> memref<80xi32, #tpu.memory_space<vmem>>
    %dma_start3A_31 = arith.constant 0 : i32
    %dma_start3A_32 = arith.constant 0 : i32
    %dma_start3A_33 = tpu.memref_slice %arg2[%dma_start3A_31, %dma_start3A_32] : memref<10000x128xf32, #tpu.memory_space<hbm>> -> memref<10000x128xf32, #tpu.memory_space<hbm>>
    tpu.enqueue_indirect_dma source(%dma_start3A_33 : memref<10000x128xf32, #tpu.memory_space<hbm>>) target(%arg8 : memref<80x128xf32, #tpu.memory_space<vmem>>) offsets(%dma_start3A_30 : memref<80xi32, #tpu.memory_space<vmem>>) semaphore(%arg13 : memref<!tpu.dma_semaphore, #tpu.memory_space<semaphore_mem>>)
    %dma_start3A_34 = arith.constant 0 : i32
    %dma_start3A_35 = arith.constant 0 : i32
    %dma_start3A_36 = tpu.memref_slice %arg3[%add3A, %dma_start3A_34, %dma_start3A_35] : memref<32x10000x128xf32, #tpu.memory_space<hbm>> -> memref<1x80x128xf32, #tpu.memory_space<hbm>>
    %dma_start3A_37 = tpu.memref_squeeze %dma_start3A_36 : memref<1x80x128xf32, #tpu.memory_space<hbm>> -> memref<80x128xf32, #tpu.memory_space<hbm>>
    %dma_start3A_38 = arith.constant 0 : i32
    %dma_start3A_39 = arith.constant 0 : i32
    %dma_start3A_40 = tpu.memref_slice %arg3[%add3A, %dma_start3A_38, %dma_start3A_39] : memref<32x10000x128xf32, #tpu.memory_space<hbm>> -> memref<1x80x128xf32, #tpu.memory_space<hbm>>
    %dma_start3A_41 = tpu.memref_squeeze %dma_start3A_40 : memref<1x80x128xf32, #tpu.memory_space<hbm>> -> memref<80x128xf32, #tpu.memory_space<hbm>>
    tpu.enqueue_dma source(%dma_start3A_41 : memref<80x128xf32, #tpu.memory_space<hbm>>) target(%arg10 : memref<80x128xf32, #tpu.memory_space<vmem>>) target_semaphore(%arg15 : memref<!tpu.dma_semaphore, #tpu.memory_space<semaphore_mem>>)
    %run_scoped3A_42 = arith.constant 1 : i32
    "tpu.region"() ({
      %run_scoped3A_112 = tpu.sem_alloc : memref<!tpu.dma_semaphore, #tpu.memory_space<semaphore_mem>>
      %dma_start3A_113 = arith.constant 0 : i32
      %dma_start3A_114 = arith.constant 0 : i32
      %dma_start3A_115 = arith.constant 0 : i32
      %dma_start3A_116 = tpu.memref_slice %arg4[%dma_start3A_113, %add3A, %run_scoped3A_42, %dma_start3A_114, %dma_start3A_115] : memref<2x32x125x1x80xi32, #tpu.memory_space<hbm>> -> memref<2x1x1x1x80xi32, #tpu.memory_space<hbm>>
      %dma_start3A_117 = tpu.memref_squeeze %dma_start3A_116 : memref<2x1x1x1x80xi32, #tpu.memory_space<hbm>> -> memref<2x1x80xi32, #tpu.memory_space<hbm>>
      %dma_start3A_118 = arith.constant 0 : i32
      %dma_start3A_119 = arith.constant 0 : i32
      %dma_start3A_120 = arith.constant 0 : i32
      %dma_start3A_121 = tpu.memref_slice %arg4[%dma_start3A_118, %add3A, %run_scoped3A_42, %dma_start3A_119, %dma_start3A_120] : memref<2x32x125x1x80xi32, #tpu.memory_space<hbm>> -> memref<2x1x1x1x80xi32, #tpu.memory_space<hbm>>
      %dma_start3A_122 = tpu.memref_squeeze %dma_start3A_121 : memref<2x1x1x1x80xi32, #tpu.memory_space<hbm>> -> memref<2x1x80xi32, #tpu.memory_space<hbm>>
      tpu.enqueue_dma source(%dma_start3A_122 : memref<2x1x80xi32, #tpu.memory_space<hbm>>) target(%arg7 : memref<2x1x80xi32, #tpu.memory_space<vmem>>) target_semaphore(%run_scoped3A_112 : memref<!tpu.dma_semaphore, #tpu.memory_space<semaphore_mem>>)
      %dma_wait3A_123 = arith.constant 0 : i32
      %dma_wait3A_124 = arith.constant 0 : i32
      %dma_wait3A_125 = arith.constant 0 : i32
      %dma_wait3A_126 = tpu.memref_slice %arg4[%dma_wait3A_123, %add3A, %run_scoped3A_42, %dma_wait3A_124, %dma_wait3A_125] : memref<2x32x125x1x80xi32, #tpu.memory_space<hbm>> -> memref<2x1x1x1x80xi32, #tpu.memory_space<hbm>>
      %dma_wait3A_127 = tpu.memref_squeeze %dma_wait3A_126 : memref<2x1x1x1x80xi32, #tpu.memory_space<hbm>> -> memref<2x1x80xi32, #tpu.memory_space<hbm>>
      %dma_wait3A_128 = arith.constant 0 : i32
      %dma_wait3A_129 = arith.constant 0 : i32
      %dma_wait3A_130 = arith.constant 0 : i32
      %dma_wait3A_131 = tpu.memref_slice %arg4[%dma_wait3A_128, %add3A, %run_scoped3A_42, %dma_wait3A_129, %dma_wait3A_130] : memref<2x32x125x1x80xi32, #tpu.memory_space<hbm>> -> memref<2x1x1x1x80xi32, #tpu.memory_space<hbm>>
      %dma_wait3A_132 = tpu.memref_squeeze %dma_wait3A_131 : memref<2x1x1x1x80xi32, #tpu.memory_space<hbm>> -> memref<2x1x80xi32, #tpu.memory_space<hbm>>
      tpu.wait_dma2 semaphore(%run_scoped3A_112 : memref<!tpu.dma_semaphore, #tpu.memory_space<semaphore_mem>>) src(%dma_wait3A_132 : memref<2x1x80xi32, #tpu.memory_space<hbm>>) dst(%arg7 : memref<2x1x80xi32, #tpu.memory_space<vmem>>)
      tpu.yield
    }) : () -> ()
    %dma_start3A_43 = arith.constant 0 : i32
    %dma_start3A_44 = arith.constant 0 : i32
    %dma_start3A_45 = arith.constant 0 : i32
    %dma_start3A_46 = tpu.memref_slice %arg7[%dma_start3A_43, %dma_start3A_44, %dma_start3A_45] : memref<2x1x80xi32, #tpu.memory_space<vmem>> -> memref<1x1x80xi32, #tpu.memory_space<vmem>>
    %dma_start3A_47 = tpu.memref_squeeze %dma_start3A_46 : memref<1x1x80xi32, #tpu.memory_space<vmem>> -> memref<80xi32, #tpu.memory_space<vmem>>
    %dma_start3A_48 = arith.constant 0 : i32
    %dma_start3A_49 = arith.constant 0 : i32
    %dma_start3A_50 = tpu.memref_slice %arg2[%dma_start3A_48, %dma_start3A_49] : memref<10000x128xf32, #tpu.memory_space<hbm>> -> memref<10000x128xf32, #tpu.memory_space<hbm>>
    tpu.enqueue_indirect_dma source(%dma_start3A_50 : memref<10000x128xf32, #tpu.memory_space<hbm>>) target(%arg9 : memref<80x128xf32, #tpu.memory_space<vmem>>) offsets(%dma_start3A_47 : memref<80xi32, #tpu.memory_space<vmem>>) semaphore(%arg14 : memref<!tpu.dma_semaphore, #tpu.memory_space<semaphore_mem>>)
    %dma_start3A_51 = arith.constant 80 : i32
    %dma_start3A_52 = arith.constant 0 : i32
    %dma_start3A_53 = tpu.memref_slice %arg3[%add3A, %dma_start3A_51, %dma_start3A_52] : memref<32x10000x128xf32, #tpu.memory_space<hbm>> -> memref<1x80x128xf32, #tpu.memory_space<hbm>>
    %dma_start3A_54 = tpu.memref_squeeze %dma_start3A_53 : memref<1x80x128xf32, #tpu.memory_space<hbm>> -> memref<80x128xf32, #tpu.memory_space<hbm>>
    %dma_start3A_55 = arith.constant 80 : i32
    %dma_start3A_56 = arith.constant 0 : i32
    %dma_start3A_57 = tpu.memref_slice %arg3[%add3A, %dma_start3A_55, %dma_start3A_56] : memref<32x10000x128xf32, #tpu.memory_space<hbm>> -> memref<1x80x128xf32, #tpu.memory_space<hbm>>
    %dma_start3A_58 = tpu.memref_squeeze %dma_start3A_57 : memref<1x80x128xf32, #tpu.memory_space<hbm>> -> memref<80x128xf32, #tpu.memory_space<hbm>>
    tpu.enqueue_dma source(%dma_start3A_58 : memref<80x128xf32, #tpu.memory_space<hbm>>) target(%arg11 : memref<80x128xf32, #tpu.memory_space<vmem>>) target_semaphore(%arg16 : memref<!tpu.dma_semaphore, #tpu.memory_space<semaphore_mem>>)
    %barrier3A = arith.constant 0 : index
    tpu.barrier barrier_id(%barrier3A)
    %scan3A_59 = arith.constant 0 : i32
    %scan3A_60 = arith.constant 0 : i32
    %scan3A_61 = arith.constant 62 : i32
    %scan3A_62 = arith.addi %scan3A_60, %scan3A_61 : i32
    %scan3A_63 = arith.constant 1 : i32
    scf.for %scan3A_112 = %scan3A_60 to %scan3A_62 step %scan3A_63  : i32 {
      %mul3A_113 = arith.constant 2 : i32
      %mul3A_114 = arith.muli %mul3A_113, %scan3A_112 : i32
      %add3A_115 = arith.constant 0 : i32
      %add3A_116 = arith.addi %mul3A_114, %add3A_115 : i32
      %dma_wait3A_117 = arith.constant 0 : i32
      %dma_wait3A_118 = arith.constant 0 : i32
      %dma_wait3A_119 = arith.constant 0 : i32
      %dma_wait3A_120 = tpu.memref_slice %arg6[%dma_wait3A_117, %dma_wait3A_118, %dma_wait3A_119] : memref<2x1x80xi32, #tpu.memory_space<vmem>> -> memref<1x1x80xi32, #tpu.memory_space<vmem>>
      %dma_wait3A_121 = tpu.memref_squeeze %dma_wait3A_120 : memref<1x1x80xi32, #tpu.memory_space<vmem>> -> memref<80xi32, #tpu.memory_space<vmem>>
      %dma_wait3A_122 = arith.constant 0 : i32
      %dma_wait3A_123 = arith.constant 0 : i32
      %dma_wait3A_124 = tpu.memref_slice %arg2[%dma_wait3A_122, %dma_wait3A_123] : memref<10000x128xf32, #tpu.memory_space<hbm>> -> memref<10000x128xf32, #tpu.memory_space<hbm>>
      tpu.wait_indirect_dma semaphore(%arg13 : memref<!tpu.dma_semaphore, #tpu.memory_space<semaphore_mem>>) src(%dma_wait3A_124 : memref<10000x128xf32, #tpu.memory_space<hbm>>) dst(%arg8 : memref<80x128xf32, #tpu.memory_space<vmem>>)
      %mul3A_125 = arith.constant 80 : i32
      %mul3A_126 = arith.muli %add3A_116, %mul3A_125 : i32
      %dma_wait3A_127 = arith.constant 0 : i32
      %dma_wait3A_128 = tpu.memref_slice %arg3[%add3A, %mul3A_126, %dma_wait3A_127] : memref<32x10000x128xf32, #tpu.memory_space<hbm>> -> memref<1x80x128xf32, #tpu.memory_space<hbm>>
      %dma_wait3A_129 = tpu.memref_squeeze %dma_wait3A_128 : memref<1x80x128xf32, #tpu.memory_space<hbm>> -> memref<80x128xf32, #tpu.memory_space<hbm>>
      %dma_wait3A_130 = arith.constant 0 : i32
      %dma_wait3A_131 = tpu.memref_slice %arg3[%add3A, %mul3A_126, %dma_wait3A_130] : memref<32x10000x128xf32, #tpu.memory_space<hbm>> -> memref<1x80x128xf32, #tpu.memory_space<hbm>>
      %dma_wait3A_132 = tpu.memref_squeeze %dma_wait3A_131 : memref<1x80x128xf32, #tpu.memory_space<hbm>> -> memref<80x128xf32, #tpu.memory_space<hbm>>
      tpu.wait_dma2 semaphore(%arg15 : memref<!tpu.dma_semaphore, #tpu.memory_space<semaphore_mem>>) src(%dma_wait3A_132 : memref<80x128xf32, #tpu.memory_space<hbm>>) dst(%arg10 : memref<80x128xf32, #tpu.memory_space<vmem>>)
      %scan3A_133 = arith.constant 0 : i32
      %scan3A_134 = arith.constant 0 : i32
      %scan3A_135 = arith.constant 80 : i32
      %scan3A_136 = arith.addi %scan3A_134, %scan3A_135 : i32
      %scan3A_137 = arith.constant 1 : i32
      scf.for %scan3A_182 = %scan3A_134 to %scan3A_136 step %scan3A_137  : i32 {
        %get3A = arith.index_cast %scan3A_182 : i32 to index
        %get3A_183 = arith.constant 0 : index
        %get3A_184 = tpu.vector_load %arg8[%get3A, %get3A_183] {strides = array<i32>} : memref<80x128xf32, #tpu.memory_space<vmem>>, vector<1x16xf32>,
        %get3A_185 = vector.shape_cast %get3A_184 : vector<1x16xf32> to vector<16xf32>
        %get3A_186 = arith.index_cast %scan3A_182 : i32 to index
        %get3A_187 = arith.constant 0 : index
        %get3A_188 = tpu.vector_load %arg10[%get3A_186, %get3A_187] {strides = array<i32>} : memref<80x128xf32, #tpu.memory_space<vmem>>, vector<1x16xf32>,
        %get3A_189 = vector.shape_cast %get3A_188 : vector<1x16xf32> to vector<16xf32>
        %mul3A_190 = arith.mulf %get3A_185, %get3A_189 : vector<16xf32>
        %swap3A = arith.index_cast %scan3A_182 : i32 to index
        %swap3A_191 = arith.constant 0 : index
        %swap3A_192 = tpu.vector_load %arg8[%swap3A, %swap3A_191] {strides = array<i32>} : memref<80x128xf32, #tpu.memory_space<vmem>>, vector<1x16xf32>,
        %swap3A_193 = vector.shape_cast %swap3A_192 : vector<1x16xf32> to vector<16xf32>
        %swap3A_194 = vector.shape_cast %mul3A_190 : vector<16xf32> to vector<1x16xf32>
        tpu.vector_store %arg8[%swap3A, %swap3A_191], %swap3A_194 {strides = array<i32>} : memref<80x128xf32, #tpu.memory_space<vmem>>, vector<1x16xf32>,
        %get3A_195 = arith.index_cast %scan3A_182 : i32 to index
        %get3A_196 = arith.constant 16 : index
        %get3A_197 = tpu.vector_load %arg8[%get3A_195, %get3A_196] {strides = array<i32>} : memref<80x128xf32, #tpu.memory_space<vmem>>, vector<1x16xf32>,
        %get3A_198 = vector.shape_cast %get3A_197 : vector<1x16xf32> to vector<16xf32>
        %get3A_199 = arith.index_cast %scan3A_182 : i32 to index
        %get3A_200 = arith.constant 16 : index
        %get3A_201 = tpu.vector_load %arg10[%get3A_199, %get3A_200] {strides = array<i32>} : memref<80x128xf32, #tpu.memory_space<vmem>>, vector<1x16xf32>,
        %get3A_202 = vector.shape_cast %get3A_201 : vector<1x16xf32> to vector<16xf32>
        %mul3A_203 = arith.mulf %get3A_198, %get3A_202 : vector<16xf32>
        %swap3A_204 = arith.index_cast %scan3A_182 : i32 to index
        %swap3A_205 = arith.constant 16 : index
        %swap3A_206 = tpu.vector_load %arg8[%swap3A_204, %swap3A_205] {strides = array<i32>} : memref<80x128xf32, #tpu.memory_space<vmem>>, vector<1x16xf32>,
        %swap3A_207 = vector.shape_cast %swap3A_206 : vector<1x16xf32> to vector<16xf32>
        %swap3A_208 = vector.shape_cast %mul3A_203 : vector<16xf32> to vector<1x16xf32>
        tpu.vector_store %arg8[%swap3A_204, %swap3A_205], %swap3A_208 {strides = array<i32>} : memref<80x128xf32, #tpu.memory_space<vmem>>, vector<1x16xf32>,
        %get3A_209 = arith.index_cast %scan3A_182 : i32 to index
        %get3A_210 = arith.constant 32 : index
        %get3A_211 = tpu.vector_load %arg8[%get3A_209, %get3A_210] {strides = array<i32>} : memref<80x128xf32, #tpu.memory_space<vmem>>, vector<1x16xf32>,
        %get3A_212 = vector.shape_cast %get3A_211 : vector<1x16xf32> to vector<16xf32>
        %get3A_213 = arith.index_cast %scan3A_182 : i32 to index
        %get3A_214 = arith.constant 32 : index
        %get3A_215 = tpu.vector_load %arg10[%get3A_213, %get3A_214] {strides = array<i32>} : memref<80x128xf32, #tpu.memory_space<vmem>>, vector<1x16xf32>,
        %get3A_216 = vector.shape_cast %get3A_215 : vector<1x16xf32> to vector<16xf32>
        %mul3A_217 = arith.mulf %get3A_212, %get3A_216 : vector<16xf32>
        %swap3A_218 = arith.index_cast %scan3A_182 : i32 to index
        %swap3A_219 = arith.constant 32 : index
        %swap3A_220 = tpu.vector_load %arg8[%swap3A_218, %swap3A_219] {strides = array<i32>} : memref<80x128xf32, #tpu.memory_space<vmem>>, vector<1x16xf32>,
        %swap3A_221 = vector.shape_cast %swap3A_220 : vector<1x16xf32> to vector<16xf32>
        %swap3A_222 = vector.shape_cast %mul3A_217 : vector<16xf32> to vector<1x16xf32>
        tpu.vector_store %arg8[%swap3A_218, %swap3A_219], %swap3A_222 {strides = array<i32>} : memref<80x128xf32, #tpu.memory_space<vmem>>, vector<1x16xf32>,
        %get3A_223 = arith.index_cast %scan3A_182 : i32 to index
        %get3A_224 = arith.constant 48 : index
        %get3A_225 = tpu.vector_load %arg8[%get3A_223, %get3A_224] {strides = array<i32>} : memref<80x128xf32, #tpu.memory_space<vmem>>, vector<1x16xf32>,
        %get3A_226 = vector.shape_cast %get3A_225 : vector<1x16xf32> to vector<16xf32>
        %get3A_227 = arith.index_cast %scan3A_182 : i32 to index
        %get3A_228 = arith.constant 48 : index
        %get3A_229 = tpu.vector_load %arg10[%get3A_227, %get3A_228] {strides = array<i32>} : memref<80x128xf32, #tpu.memory_space<vmem>>, vector<1x16xf32>,
        %get3A_230 = vector.shape_cast %get3A_229 : vector<1x16xf32> to vector<16xf32>
        %mul3A_231 = arith.mulf %get3A_226, %get3A_230 : vector<16xf32>
        %swap3A_232 = arith.index_cast %scan3A_182 : i32 to index
        %swap3A_233 = arith.constant 48 : index
        %swap3A_234 = tpu.vector_load %arg8[%swap3A_232, %swap3A_233] {strides = array<i32>} : memref<80x128xf32, #tpu.memory_space<vmem>>, vector<1x16xf32>,
        %swap3A_235 = vector.shape_cast %swap3A_234 : vector<1x16xf32> to vector<16xf32>
        %swap3A_236 = vector.shape_cast %mul3A_231 : vector<16xf32> to vector<1x16xf32>
        tpu.vector_store %arg8[%swap3A_232, %swap3A_233], %swap3A_236 {strides = array<i32>} : memref<80x128xf32, #tpu.memory_space<vmem>>, vector<1x16xf32>,
        %get3A_237 = arith.index_cast %scan3A_182 : i32 to index
        %get3A_238 = arith.constant 64 : index
        %get3A_239 = tpu.vector_load %arg8[%get3A_237, %get3A_238] {strides = array<i32>} : memref<80x128xf32, #tpu.memory_space<vmem>>, vector<1x16xf32>,
        %get3A_240 = vector.shape_cast %get3A_239 : vector<1x16xf32> to vector<16xf32>
        %get3A_241 = arith.index_cast %scan3A_182 : i32 to index
        %get3A_242 = arith.constant 64 : index
        %get3A_243 = tpu.vector_load %arg10[%get3A_241, %get3A_242] {strides = array<i32>} : memref<80x128xf32, #tpu.memory_space<vmem>>, vector<1x16xf32>,
        %get3A_244 = vector.shape_cast %get3A_243 : vector<1x16xf32> to vector<16xf32>
        %mul3A_245 = arith.mulf %get3A_240, %get3A_244 : vector<16xf32>
        %swap3A_246 = arith.index_cast %scan3A_182 : i32 to index
        %swap3A_247 = arith.constant 64 : index
        %swap3A_248 = tpu.vector_load %arg8[%swap3A_246, %swap3A_247] {strides = array<i32>} : memref<80x128xf32, #tpu.memory_space<vmem>>, vector<1x16xf32>,
        %swap3A_249 = vector.shape_cast %swap3A_248 : vector<1x16xf32> to vector<16xf32>
        %swap3A_250 = vector.shape_cast %mul3A_245 : vector<16xf32> to vector<1x16xf32>
        tpu.vector_store %arg8[%swap3A_246, %swap3A_247], %swap3A_250 {strides = array<i32>} : memref<80x128xf32, #tpu.memory_space<vmem>>, vector<1x16xf32>,
        %get3A_251 = arith.index_cast %scan3A_182 : i32 to index
        %get3A_252 = arith.constant 80 : index
        %get3A_253 = tpu.vector_load %arg8[%get3A_251, %get3A_252] {strides = array<i32>} : memref<80x128xf32, #tpu.memory_space<vmem>>, vector<1x16xf32>,
        %get3A_254 = vector.shape_cast %get3A_253 : vector<1x16xf32> to vector<16xf32>
        %get3A_255 = arith.index_cast %scan3A_182 : i32 to index
        %get3A_256 = arith.constant 80 : index
        %get3A_257 = tpu.vector_load %arg10[%get3A_255, %get3A_256] {strides = array<i32>} : memref<80x128xf32, #tpu.memory_space<vmem>>, vector<1x16xf32>,
        %get3A_258 = vector.shape_cast %get3A_257 : vector<1x16xf32> to vector<16xf32>
        %mul3A_259 = arith.mulf %get3A_254, %get3A_258 : vector<16xf32>
        %swap3A_260 = arith.index_cast %scan3A_182 : i32 to index
        %swap3A_261 = arith.constant 80 : index
        %swap3A_262 = tpu.vector_load %arg8[%swap3A_260, %swap3A_261] {strides = array<i32>} : memref<80x128xf32, #tpu.memory_space<vmem>>, vector<1x16xf32>,
        %swap3A_263 = vector.shape_cast %swap3A_262 : vector<1x16xf32> to vector<16xf32>
        %swap3A_264 = vector.shape_cast %mul3A_259 : vector<16xf32> to vector<1x16xf32>
        tpu.vector_store %arg8[%swap3A_260, %swap3A_261], %swap3A_264 {strides = array<i32>} : memref<80x128xf32, #tpu.memory_space<vmem>>, vector<1x16xf32>,
        %get3A_265 = arith.index_cast %scan3A_182 : i32 to index
        %get3A_266 = arith.constant 96 : index
        %get3A_267 = tpu.vector_load %arg8[%get3A_265, %get3A_266] {strides = array<i32>} : memref<80x128xf32, #tpu.memory_space<vmem>>, vector<1x16xf32>,
        %get3A_268 = vector.shape_cast %get3A_267 : vector<1x16xf32> to vector<16xf32>
        %get3A_269 = arith.index_cast %scan3A_182 : i32 to index
        %get3A_270 = arith.constant 96 : index
        %get3A_271 = tpu.vector_load %arg10[%get3A_269, %get3A_270] {strides = array<i32>} : memref<80x128xf32, #tpu.memory_space<vmem>>, vector<1x16xf32>,
        %get3A_272 = vector.shape_cast %get3A_271 : vector<1x16xf32> to vector<16xf32>
        %mul3A_273 = arith.mulf %get3A_268, %get3A_272 : vector<16xf32>
        %swap3A_274 = arith.index_cast %scan3A_182 : i32 to index
        %swap3A_275 = arith.constant 96 : index
        %swap3A_276 = tpu.vector_load %arg8[%swap3A_274, %swap3A_275] {strides = array<i32>} : memref<80x128xf32, #tpu.memory_space<vmem>>, vector<1x16xf32>,
        %swap3A_277 = vector.shape_cast %swap3A_276 : vector<1x16xf32> to vector<16xf32>
        %swap3A_278 = vector.shape_cast %mul3A_273 : vector<16xf32> to vector<1x16xf32>
        tpu.vector_store %arg8[%swap3A_274, %swap3A_275], %swap3A_278 {strides = array<i32>} : memref<80x128xf32, #tpu.memory_space<vmem>>, vector<1x16xf32>,
        %get3A_279 = arith.index_cast %scan3A_182 : i32 to index
        %get3A_280 = arith.constant 112 : index
        %get3A_281 = tpu.vector_load %arg8[%get3A_279, %get3A_280] {strides = array<i32>} : memref<80x128xf32, #tpu.memory_space<vmem>>, vector<1x16xf32>,
        %get3A_282 = vector.shape_cast %get3A_281 : vector<1x16xf32> to vector<16xf32>
        %get3A_283 = arith.index_cast %scan3A_182 : i32 to index
        %get3A_284 = arith.constant 112 : index
        %get3A_285 = tpu.vector_load %arg10[%get3A_283, %get3A_284] {strides = array<i32>} : memref<80x128xf32, #tpu.memory_space<vmem>>, vector<1x16xf32>,
        %get3A_286 = vector.shape_cast %get3A_285 : vector<1x16xf32> to vector<16xf32>
        %mul3A_287 = arith.mulf %get3A_282, %get3A_286 : vector<16xf32>
        %swap3A_288 = arith.index_cast %scan3A_182 : i32 to index
        %swap3A_289 = arith.constant 112 : index
        %swap3A_290 = tpu.vector_load %arg8[%swap3A_288, %swap3A_289] {strides = array<i32>} : memref<80x128xf32, #tpu.memory_space<vmem>>, vector<1x16xf32>,
        %swap3A_291 = vector.shape_cast %swap3A_290 : vector<1x16xf32> to vector<16xf32>
        %swap3A_292 = vector.shape_cast %mul3A_287 : vector<16xf32> to vector<1x16xf32>
        tpu.vector_store %arg8[%swap3A_288, %swap3A_289], %swap3A_292 {strides = array<i32>} : memref<80x128xf32, #tpu.memory_space<vmem>>, vector<1x16xf32>,
      }
      %scan3A_138 = arith.constant 80 : i32
      %run_scoped3A_139 = arith.constant 1 : i32
      %run_scoped3A_140 = arith.constant 0 : i32
      "tpu.region"() ({
        %run_scoped3A_182 = tpu.sem_alloc : memref<!tpu.dma_semaphore, #tpu.memory_space<semaphore_mem>>
        %dma_start3A_183 = arith.constant 0 : i32
        %dma_start3A_184 = tpu.memref_slice %arg6[%run_scoped3A_139, %run_scoped3A_140, %dma_start3A_183] : memref<2x1x80xi32, #tpu.memory_space<vmem>> -> memref<1x1x80xi32, #tpu.memory_space<vmem>>
        %dma_start3A_185 = tpu.memref_squeeze %dma_start3A_184 : memref<1x1x80xi32, #tpu.memory_space<vmem>> -> memref<80xi32, #tpu.memory_space<vmem>>
        %dma_start3A_186 = arith.constant 0 : i32
        %dma_start3A_187 = arith.constant 0 : i32
        %dma_start3A_188 = tpu.memref_slice %arg12[%dma_start3A_186, %dma_start3A_187] : memref<10000x128xf32, #tpu.memory_space<vmem_shared>> -> memref<10000x128xf32, #tpu.memory_space<vmem_shared>>
        tpu.enqueue_indirect_dma source(%arg8 : memref<80x128xf32, #tpu.memory_space<vmem>>) target(%dma_start3A_188 : memref<10000x128xf32, #tpu.memory_space<vmem_shared>>) offsets(%dma_start3A_185 : memref<80xi32, #tpu.memory_space<vmem>>) semaphore(%run_scoped3A_182 : memref<!tpu.dma_semaphore, #tpu.memory_space<semaphore_mem>>) {add = true}
        %dma_wait3A_189 = arith.constant 0 : i32
        %dma_wait3A_190 = tpu.memref_slice %arg6[%run_scoped3A_139, %run_scoped3A_140, %dma_wait3A_189] : memref<2x1x80xi32, #tpu.memory_space<vmem>> -> memref<1x1x80xi32, #tpu.memory_space<vmem>>
        %dma_wait3A_191 = tpu.memref_squeeze %dma_wait3A_190 : memref<1x1x80xi32, #tpu.memory_space<vmem>> -> memref<80xi32, #tpu.memory_space<vmem>>
        %dma_wait3A_192 = arith.constant 0 : i32
        %dma_wait3A_193 = arith.constant 0 : i32
        %dma_wait3A_194 = tpu.memref_slice %arg12[%dma_wait3A_192, %dma_wait3A_193] : memref<10000x128xf32, #tpu.memory_space<vmem_shared>> -> memref<10000x128xf32, #tpu.memory_space<vmem_shared>>
        tpu.wait_indirect_dma semaphore(%run_scoped3A_182 : memref<!tpu.dma_semaphore, #tpu.memory_space<semaphore_mem>>) src(%arg8 : memref<80x128xf32, #tpu.memory_space<vmem>>) dst(%dma_wait3A_194 : memref<10000x128xf32, #tpu.memory_space<vmem_shared>>)
        tpu.yield
      }) : () -> ()
      %add3A_141 = arith.constant 2 : i32
      %add3A_142 = arith.addi %add3A_116, %add3A_141 : i32
      %lt3A = arith.constant 125 : i32
      %lt3A_143 = arith.cmpi slt, %add3A_142, %lt3A : i32
      %convert_element_type3A_144 = arith.extui %lt3A_143 : i1 to i32
      %cond3A_145 = arith.constant 0 : i32
      %cond3A_146 = arith.cmpi ne, %convert_element_type3A_144, %cond3A_145 : i32
      scf.if %cond3A_146 {
        %add3A_182 = arith.constant 2 : i32
        %add3A_183 = arith.addi %add3A_116, %add3A_182 : i32
        "tpu.region"() ({
          %run_scoped3A_200 = tpu.sem_alloc : memref<!tpu.dma_semaphore, #tpu.memory_space<semaphore_mem>>
          %dma_start3A_201 = arith.constant 0 : i32
          %dma_start3A_202 = arith.constant 0 : i32
          %dma_start3A_203 = arith.constant 0 : i32
          %dma_start3A_204 = tpu.memref_slice %arg4[%dma_start3A_201, %add3A, %add3A_183, %dma_start3A_202, %dma_start3A_203] : memref<2x32x125x1x80xi32, #tpu.memory_space<hbm>> -> memref<2x1x1x1x80xi32, #tpu.memory_space<hbm>>
          %dma_start3A_205 = tpu.memref_squeeze %dma_start3A_204 : memref<2x1x1x1x80xi32, #tpu.memory_space<hbm>> -> memref<2x1x80xi32, #tpu.memory_space<hbm>>
          %dma_start3A_206 = arith.constant 0 : i32
          %dma_start3A_207 = arith.constant 0 : i32
          %dma_start3A_208 = arith.constant 0 : i32
          %dma_start3A_209 = tpu.memref_slice %arg4[%dma_start3A_206, %add3A, %add3A_183, %dma_start3A_207, %dma_start3A_208] : memref<2x32x125x1x80xi32, #tpu.memory_space<hbm>> -> memref<2x1x1x1x80xi32, #tpu.memory_space<hbm>>
          %dma_start3A_210 = tpu.memref_squeeze %dma_start3A_209 : memref<2x1x1x1x80xi32, #tpu.memory_space<hbm>> -> memref<2x1x80xi32, #tpu.memory_space<hbm>>
          tpu.enqueue_dma source(%dma_start3A_210 : memref<2x1x80xi32, #tpu.memory_space<hbm>>) target(%arg6 : memref<2x1x80xi32, #tpu.memory_space<vmem>>) target_semaphore(%run_scoped3A_200 : memref<!tpu.dma_semaphore, #tpu.memory_space<semaphore_mem>>)
          %dma_wait3A_211 = arith.constant 0 : i32
          %dma_wait3A_212 = arith.constant 0 : i32
          %dma_wait3A_213 = arith.constant 0 : i32
          %dma_wait3A_214 = tpu.memref_slice %arg4[%dma_wait3A_211, %add3A, %add3A_183, %dma_wait3A_212, %dma_wait3A_213] : memref<2x32x125x1x80xi32, #tpu.memory_space<hbm>> -> memref<2x1x1x1x80xi32, #tpu.memory_space<hbm>>
          %dma_wait3A_215 = tpu.memref_squeeze %dma_wait3A_214 : memref<2x1x1x1x80xi32, #tpu.memory_space<hbm>> -> memref<2x1x80xi32, #tpu.memory_space<hbm>>
          %dma_wait3A_216 = arith.constant 0 : i32
          %dma_wait3A_217 = arith.constant 0 : i32
          %dma_wait3A_218 = arith.constant 0 : i32
          %dma_wait3A_219 = tpu.memref_slice %arg4[%dma_wait3A_216, %add3A, %add3A_183, %dma_wait3A_217, %dma_wait3A_218] : memref<2x32x125x1x80xi32, #tpu.memory_space<hbm>> -> memref<2x1x1x1x80xi32, #tpu.memory_space<hbm>>
          %dma_wait3A_220 = tpu.memref_squeeze %dma_wait3A_219 : memref<2x1x1x1x80xi32, #tpu.memory_space<hbm>> -> memref<2x1x80xi32, #tpu.memory_space<hbm>>
          tpu.wait_dma2 semaphore(%run_scoped3A_200 : memref<!tpu.dma_semaphore, #tpu.memory_space<semaphore_mem>>) src(%dma_wait3A_220 : memref<2x1x80xi32, #tpu.memory_space<hbm>>) dst(%arg6 : memref<2x1x80xi32, #tpu.memory_space<vmem>>)
          tpu.yield
        }) : () -> ()
        %dma_start3A_184 = arith.constant 0 : i32
        %dma_start3A_185 = arith.constant 0 : i32
        %dma_start3A_186 = arith.constant 0 : i32
        %dma_start3A_187 = tpu.memref_slice %arg6[%dma_start3A_184, %dma_start3A_185, %dma_start3A_186] : memref<2x1x80xi32, #tpu.memory_space<vmem>> -> memref<1x1x80xi32, #tpu.memory_space<vmem>>
        %dma_start3A_188 = tpu.memref_squeeze %dma_start3A_187 : memref<1x1x80xi32, #tpu.memory_space<vmem>> -> memref<80xi32, #tpu.memory_space<vmem>>
        %dma_start3A_189 = arith.constant 0 : i32
        %dma_start3A_190 = arith.constant 0 : i32
        %dma_start3A_191 = tpu.memref_slice %arg2[%dma_start3A_189, %dma_start3A_190] : memref<10000x128xf32, #tpu.memory_space<hbm>> -> memref<10000x128xf32, #tpu.memory_space<hbm>>
        tpu.enqueue_indirect_dma source(%dma_start3A_191 : memref<10000x128xf32, #tpu.memory_space<hbm>>) target(%arg8 : memref<80x128xf32, #tpu.memory_space<vmem>>) offsets(%dma_start3A_188 : memref<80xi32, #tpu.memory_space<vmem>>) semaphore(%arg13 : memref<!tpu.dma_semaphore, #tpu.memory_space<semaphore_mem>>)
        %mul3A_192 = arith.constant 80 : i32
        %mul3A_193 = arith.muli %add3A_183, %mul3A_192 : i32
        %dma_start3A_194 = arith.constant 0 : i32
        %dma_start3A_195 = tpu.memref_slice %arg3[%add3A, %mul3A_193, %dma_start3A_194] : memref<32x10000x128xf32, #tpu.memory_space<hbm>> -> memref<1x80x128xf32, #tpu.memory_space<hbm>>
        %dma_start3A_196 = tpu.memref_squeeze %dma_start3A_195 : memref<1x80x128xf32, #tpu.memory_space<hbm>> -> memref<80x128xf32, #tpu.memory_space<hbm>>
        %dma_start3A_197 = arith.constant 0 : i32
        %dma_start3A_198 = tpu.memref_slice %arg3[%add3A, %mul3A_193, %dma_start3A_197] : memref<32x10000x128xf32, #tpu.memory_space<hbm>> -> memref<1x80x128xf32, #tpu.memory_space<hbm>>
        %dma_start3A_199 = tpu.memref_squeeze %dma_start3A_198 : memref<1x80x128xf32, #tpu.memory_space<hbm>> -> memref<80x128xf32, #tpu.memory_space<hbm>>
        tpu.enqueue_dma source(%dma_start3A_199 : memref<80x128xf32, #tpu.memory_space<hbm>>) target(%arg10 : memref<80x128xf32, #tpu.memory_space<vmem>>) target_semaphore(%arg15 : memref<!tpu.dma_semaphore, #tpu.memory_space<semaphore_mem>>)
      } else {
      }
      %mul3A_147 = arith.constant 2 : i32
      %mul3A_148 = arith.muli %mul3A_147, %scan3A_112 : i32
      %add3A_149 = arith.constant 1 : i32
      %add3A_150 = arith.addi %mul3A_148, %add3A_149 : i32
      %dma_wait3A_151 = arith.constant 0 : i32
      %dma_wait3A_152 = arith.constant 0 : i32
      %dma_wait3A_153 = arith.constant 0 : i32
      %dma_wait3A_154 = tpu.memref_slice %arg7[%dma_wait3A_151, %dma_wait3A_152, %dma_wait3A_153] : memref<2x1x80xi32, #tpu.memory_space<vmem>> -> memref<1x1x80xi32, #tpu.memory_space<vmem>>
      %dma_wait3A_155 = tpu.memref_squeeze %dma_wait3A_154 : memref<1x1x80xi32, #tpu.memory_space<vmem>> -> memref<80xi32, #tpu.memory_space<vmem>>
      %dma_wait3A_156 = arith.constant 0 : i32
      %dma_wait3A_157 = arith.constant 0 : i32
      %dma_wait3A_158 = tpu.memref_slice %arg2[%dma_wait3A_156, %dma_wait3A_157] : memref<10000x128xf32, #tpu.memory_space<hbm>> -> memref<10000x128xf32, #tpu.memory_space<hbm>>
      tpu.wait_indirect_dma semaphore(%arg14 : memref<!tpu.dma_semaphore, #tpu.memory_space<semaphore_mem>>) src(%dma_wait3A_158 : memref<10000x128xf32, #tpu.memory_space<hbm>>) dst(%arg9 : memref<80x128xf32, #tpu.memory_space<vmem>>)
      %mul3A_159 = arith.constant 80 : i32
      %mul3A_160 = arith.muli %add3A_150, %mul3A_159 : i32
      %dma_wait3A_161 = arith.constant 0 : i32
      %dma_wait3A_162 = tpu.memref_slice %arg3[%add3A, %mul3A_160, %dma_wait3A_161] : memref<32x10000x128xf32, #tpu.memory_space<hbm>> -> memref<1x80x128xf32, #tpu.memory_space<hbm>>
      %dma_wait3A_163 = tpu.memref_squeeze %dma_wait3A_162 : memref<1x80x128xf32, #tpu.memory_space<hbm>> -> memref<80x128xf32, #tpu.memory_space<hbm>>
      %dma_wait3A_164 = arith.constant 0 : i32
      %dma_wait3A_165 = tpu.memref_slice %arg3[%add3A, %mul3A_160, %dma_wait3A_164] : memref<32x10000x128xf32, #tpu.memory_space<hbm>> -> memref<1x80x128xf32, #tpu.memory_space<hbm>>
      %dma_wait3A_166 = tpu.memref_squeeze %dma_wait3A_165 : memref<1x80x128xf32, #tpu.memory_space<hbm>> -> memref<80x128xf32, #tpu.memory_space<hbm>>
      tpu.wait_dma2 semaphore(%arg16 : memref<!tpu.dma_semaphore, #tpu.memory_space<semaphore_mem>>) src(%dma_wait3A_166 : memref<80x128xf32, #tpu.memory_space<hbm>>) dst(%arg11 : memref<80x128xf32, #tpu.memory_space<vmem>>)
      %scan3A_167 = arith.constant 0 : i32
      %scan3A_168 = arith.constant 0 : i32
      %scan3A_169 = arith.constant 80 : i32
      %scan3A_170 = arith.addi %scan3A_168, %scan3A_169 : i32
      %scan3A_171 = arith.constant 1 : i32
      scf.for %scan3A_182 = %scan3A_168 to %scan3A_170 step %scan3A_171  : i32 {
        %get3A = arith.index_cast %scan3A_182 : i32 to index
        %get3A_183 = arith.constant 0 : index
        %get3A_184 = tpu.vector_load %arg9[%get3A, %get3A_183] {strides = array<i32>} : memref<80x128xf32, #tpu.memory_space<vmem>>, vector<1x16xf32>,
        %get3A_185 = vector.shape_cast %get3A_184 : vector<1x16xf32> to vector<16xf32>
        %get3A_186 = arith.index_cast %scan3A_182 : i32 to index
        %get3A_187 = arith.constant 0 : index
        %get3A_188 = tpu.vector_load %arg11[%get3A_186, %get3A_187] {strides = array<i32>} : memref<80x128xf32, #tpu.memory_space<vmem>>, vector<1x16xf32>,
        %get3A_189 = vector.shape_cast %get3A_188 : vector<1x16xf32> to vector<16xf32>
        %mul3A_190 = arith.mulf %get3A_185, %get3A_189 : vector<16xf32>
        %swap3A = arith.index_cast %scan3A_182 : i32 to index
        %swap3A_191 = arith.constant 0 : index
        %swap3A_192 = tpu.vector_load %arg9[%swap3A, %swap3A_191] {strides = array<i32>} : memref<80x128xf32, #tpu.memory_space<vmem>>, vector<1x16xf32>,
        %swap3A_193 = vector.shape_cast %swap3A_192 : vector<1x16xf32> to vector<16xf32>
        %swap3A_194 = vector.shape_cast %mul3A_190 : vector<16xf32> to vector<1x16xf32>
        tpu.vector_store %arg9[%swap3A, %swap3A_191], %swap3A_194 {strides = array<i32>} : memref<80x128xf32, #tpu.memory_space<vmem>>, vector<1x16xf32>,
        %get3A_195 = arith.index_cast %scan3A_182 : i32 to index
        %get3A_196 = arith.constant 16 : index
        %get3A_197 = tpu.vector_load %arg9[%get3A_195, %get3A_196] {strides = array<i32>} : memref<80x128xf32, #tpu.memory_space<vmem>>, vector<1x16xf32>,
        %get3A_198 = vector.shape_cast %get3A_197 : vector<1x16xf32> to vector<16xf32>
        %get3A_199 = arith.index_cast %scan3A_182 : i32 to index
        %get3A_200 = arith.constant 16 : index
        %get3A_201 = tpu.vector_load %arg11[%get3A_199, %get3A_200] {strides = array<i32>} : memref<80x128xf32, #tpu.memory_space<vmem>>, vector<1x16xf32>,
        %get3A_202 = vector.shape_cast %get3A_201 : vector<1x16xf32> to vector<16xf32>
        %mul3A_203 = arith.mulf %get3A_198, %get3A_202 : vector<16xf32>
        %swap3A_204 = arith.index_cast %scan3A_182 : i32 to index
        %swap3A_205 = arith.constant 16 : index
        %swap3A_206 = tpu.vector_load %arg9[%swap3A_204, %swap3A_205] {strides = array<i32>} : memref<80x128xf32, #tpu.memory_space<vmem>>, vector<1x16xf32>,
        %swap3A_207 = vector.shape_cast %swap3A_206 : vector<1x16xf32> to vector<16xf32>
        %swap3A_208 = vector.shape_cast %mul3A_203 : vector<16xf32> to vector<1x16xf32>
        tpu.vector_store %arg9[%swap3A_204, %swap3A_205], %swap3A_208 {strides = array<i32>} : memref<80x128xf32, #tpu.memory_space<vmem>>, vector<1x16xf32>,
        %get3A_209 = arith.index_cast %scan3A_182 : i32 to index
        %get3A_210 = arith.constant 32 : index
        %get3A_211 = tpu.vector_load %arg9[%get3A_209, %get3A_210] {strides = array<i32>} : memref<80x128xf32, #tpu.memory_space<vmem>>, vector<1x16xf32>,
        %get3A_212 = vector.shape_cast %get3A_211 : vector<1x16xf32> to vector<16xf32>
        %get3A_213 = arith.index_cast %scan3A_182 : i32 to index
        %get3A_214 = arith.constant 32 : index
        %get3A_215 = tpu.vector_load %arg11[%get3A_213, %get3A_214] {strides = array<i32>} : memref<80x128xf32, #tpu.memory_space<vmem>>, vector<1x16xf32>,
        %get3A_216 = vector.shape_cast %get3A_215 : vector<1x16xf32> to vector<16xf32>
        %mul3A_217 = arith.mulf %get3A_212, %get3A_216 : vector<16xf32>
        %swap3A_218 = arith.index_cast %scan3A_182 : i32 to index
        %swap3A_219 = arith.constant 32 : index
        %swap3A_220 = tpu.vector_load %arg9[%swap3A_218, %swap3A_219] {strides = array<i32>} : memref<80x128xf32, #tpu.memory_space<vmem>>, vector<1x16xf32>,
        %swap3A_221 = vector.shape_cast %swap3A_220 : vector<1x16xf32> to vector<16xf32>
        %swap3A_222 = vector.shape_cast %mul3A_217 : vector<16xf32> to vector<1x16xf32>
        tpu.vector_store %arg9[%swap3A_218, %swap3A_219], %swap3A_222 {strides = array<i32>} : memref<80x128xf32, #tpu.memory_space<vmem>>, vector<1x16xf32>,
        %get3A_223 = arith.index_cast %scan3A_182 : i32 to index
        %get3A_224 = arith.constant 48 : index
        %get3A_225 = tpu.vector_load %arg9[%get3A_223, %get3A_224] {strides = array<i32>} : memref<80x128xf32, #tpu.memory_space<vmem>>, vector<1x16xf32>,
        %get3A_226 = vector.shape_cast %get3A_225 : vector<1x16xf32> to vector<16xf32>
        %get3A_227 = arith.index_cast %scan3A_182 : i32 to index
        %get3A_228 = arith.constant 48 : index
        %get3A_229 = tpu.vector_load %arg11[%get3A_227, %get3A_228] {strides = array<i32>} : memref<80x128xf32, #tpu.memory_space<vmem>>, vector<1x16xf32>,
        %get3A_230 = vector.shape_cast %get3A_229 : vector<1x16xf32> to vector<16xf32>
        %mul3A_231 = arith.mulf %get3A_226, %get3A_230 : vector<16xf32>
        %swap3A_232 = arith.index_cast %scan3A_182 : i32 to index
        %swap3A_233 = arith.constant 48 : index
        %swap3A_234 = tpu.vector_load %arg9[%swap3A_232, %swap3A_233] {strides = array<i32>} : memref<80x128xf32, #tpu.memory_space<vmem>>, vector<1x16xf32>,
        %swap3A_235 = vector.shape_cast %swap3A_234 : vector<1x16xf32> to vector<16xf32>
        %swap3A_236 = vector.shape_cast %mul3A_231 : vector<16xf32> to vector<1x16xf32>
        tpu.vector_store %arg9[%swap3A_232, %swap3A_233], %swap3A_236 {strides = array<i32>} : memref<80x128xf32, #tpu.memory_space<vmem>>, vector<1x16xf32>,
        %get3A_237 = arith.index_cast %scan3A_182 : i32 to index
        %get3A_238 = arith.constant 64 : index
        %get3A_239 = tpu.vector_load %arg9[%get3A_237, %get3A_238] {strides = array<i32>} : memref<80x128xf32, #tpu.memory_space<vmem>>, vector<1x16xf32>,
        %get3A_240 = vector.shape_cast %get3A_239 : vector<1x16xf32> to vector<16xf32>
        %get3A_241 = arith.index_cast %scan3A_182 : i32 to index
        %get3A_242 = arith.constant 64 : index
        %get3A_243 = tpu.vector_load %arg11[%get3A_241, %get3A_242] {strides = array<i32>} : memref<80x128xf32, #tpu.memory_space<vmem>>, vector<1x16xf32>,
        %get3A_244 = vector.shape_cast %get3A_243 : vector<1x16xf32> to vector<16xf32>
        %mul3A_245 = arith.mulf %get3A_240, %get3A_244 : vector<16xf32>
        %swap3A_246 = arith.index_cast %scan3A_182 : i32 to index
        %swap3A_247 = arith.constant 64 : index
        %swap3A_248 = tpu.vector_load %arg9[%swap3A_246, %swap3A_247] {strides = array<i32>} : memref<80x128xf32, #tpu.memory_space<vmem>>, vector<1x16xf32>,
        %swap3A_249 = vector.shape_cast %swap3A_248 : vector<1x16xf32> to vector<16xf32>
        %swap3A_250 = vector.shape_cast %mul3A_245 : vector<16xf32> to vector<1x16xf32>
        tpu.vector_store %arg9[%swap3A_246, %swap3A_247], %swap3A_250 {strides = array<i32>} : memref<80x128xf32, #tpu.memory_space<vmem>>, vector<1x16xf32>,
        %get3A_251 = arith.index_cast %scan3A_182 : i32 to index
        %get3A_252 = arith.constant 80 : index
        %get3A_253 = tpu.vector_load %arg9[%get3A_251, %get3A_252] {strides = array<i32>} : memref<80x128xf32, #tpu.memory_space<vmem>>, vector<1x16xf32>,
        %get3A_254 = vector.shape_cast %get3A_253 : vector<1x16xf32> to vector<16xf32>
        %get3A_255 = arith.index_cast %scan3A_182 : i32 to index
        %get3A_256 = arith.constant 80 : index
        %get3A_257 = tpu.vector_load %arg11[%get3A_255, %get3A_256] {strides = array<i32>} : memref<80x128xf32, #tpu.memory_space<vmem>>, vector<1x16xf32>,
        %get3A_258 = vector.shape_cast %get3A_257 : vector<1x16xf32> to vector<16xf32>
        %mul3A_259 = arith.mulf %get3A_254, %get3A_258 : vector<16xf32>
        %swap3A_260 = arith.index_cast %scan3A_182 : i32 to index
        %swap3A_261 = arith.constant 80 : index
        %swap3A_262 = tpu.vector_load %arg9[%swap3A_260, %swap3A_261] {strides = array<i32>} : memref<80x128xf32, #tpu.memory_space<vmem>>, vector<1x16xf32>,
        %swap3A_263 = vector.shape_cast %swap3A_262 : vector<1x16xf32> to vector<16xf32>
        %swap3A_264 = vector.shape_cast %mul3A_259 : vector<16xf32> to vector<1x16xf32>
        tpu.vector_store %arg9[%swap3A_260, %swap3A_261], %swap3A_264 {strides = array<i32>} : memref<80x128xf32, #tpu.memory_space<vmem>>, vector<1x16xf32>,
        %get3A_265 = arith.index_cast %scan3A_182 : i32 to index
        %get3A_266 = arith.constant 96 : index
        %get3A_267 = tpu.vector_load %arg9[%get3A_265, %get3A_266] {strides = array<i32>} : memref<80x128xf32, #tpu.memory_space<vmem>>, vector<1x16xf32>,
        %get3A_268 = vector.shape_cast %get3A_267 : vector<1x16xf32> to vector<16xf32>
        %get3A_269 = arith.index_cast %scan3A_182 : i32 to index
        %get3A_270 = arith.constant 96 : index
        %get3A_271 = tpu.vector_load %arg11[%get3A_269, %get3A_270] {strides = array<i32>} : memref<80x128xf32, #tpu.memory_space<vmem>>, vector<1x16xf32>,
        %get3A_272 = vector.shape_cast %get3A_271 : vector<1x16xf32> to vector<16xf32>
        %mul3A_273 = arith.mulf %get3A_268, %get3A_272 : vector<16xf32>
        %swap3A_274 = arith.index_cast %scan3A_182 : i32 to index
        %swap3A_275 = arith.constant 96 : index
        %swap3A_276 = tpu.vector_load %arg9[%swap3A_274, %swap3A_275] {strides = array<i32>} : memref<80x128xf32, #tpu.memory_space<vmem>>, vector<1x16xf32>,
        %swap3A_277 = vector.shape_cast %swap3A_276 : vector<1x16xf32> to vector<16xf32>
        %swap3A_278 = vector.shape_cast %mul3A_273 : vector<16xf32> to vector<1x16xf32>
        tpu.vector_store %arg9[%swap3A_274, %swap3A_275], %swap3A_278 {strides = array<i32>} : memref<80x128xf32, #tpu.memory_space<vmem>>, vector<1x16xf32>,
        %get3A_279 = arith.index_cast %scan3A_182 : i32 to index
        %get3A_280 = arith.constant 112 : index
        %get3A_281 = tpu.vector_load %arg9[%get3A_279, %get3A_280] {strides = array<i32>} : memref<80x128xf32, #tpu.memory_space<vmem>>, vector<1x16xf32>,
        %get3A_282 = vector.shape_cast %get3A_281 : vector<1x16xf32> to vector<16xf32>
        %get3A_283 = arith.index_cast %scan3A_182 : i32 to index
        %get3A_284 = arith.constant 112 : index
        %get3A_285 = tpu.vector_load %arg11[%get3A_283, %get3A_284] {strides = array<i32>} : memref<80x128xf32, #tpu.memory_space<vmem>>, vector<1x16xf32>,
        %get3A_286 = vector.shape_cast %get3A_285 : vector<1x16xf32> to vector<16xf32>
        %mul3A_287 = arith.mulf %get3A_282, %get3A_286 : vector<16xf32>
        %swap3A_288 = arith.index_cast %scan3A_182 : i32 to index
        %swap3A_289 = arith.constant 112 : index
        %swap3A_290 = tpu.vector_load %arg9[%swap3A_288, %swap3A_289] {strides = array<i32>} : memref<80x128xf32, #tpu.memory_space<vmem>>, vector<1x16xf32>,
        %swap3A_291 = vector.shape_cast %swap3A_290 : vector<1x16xf32> to vector<16xf32>
        %swap3A_292 = vector.shape_cast %mul3A_287 : vector<16xf32> to vector<1x16xf32>
        tpu.vector_store %arg9[%swap3A_288, %swap3A_289], %swap3A_292 {strides = array<i32>} : memref<80x128xf32, #tpu.memory_space<vmem>>, vector<1x16xf32>,
      }
      %scan3A_172 = arith.constant 80 : i32
      %run_scoped3A_173 = arith.constant 1 : i32
      %run_scoped3A_174 = arith.constant 0 : i32
      "tpu.region"() ({
        %run_scoped3A_182 = tpu.sem_alloc : memref<!tpu.dma_semaphore, #tpu.memory_space<semaphore_mem>>
        %dma_start3A_183 = arith.constant 0 : i32
        %dma_start3A_184 = tpu.memref_slice %arg7[%run_scoped3A_173, %run_scoped3A_174, %dma_start3A_183] : memref<2x1x80xi32, #tpu.memory_space<vmem>> -> memref<1x1x80xi32, #tpu.memory_space<vmem>>
        %dma_start3A_185 = tpu.memref_squeeze %dma_start3A_184 : memref<1x1x80xi32, #tpu.memory_space<vmem>> -> memref<80xi32, #tpu.memory_space<vmem>>
        %dma_start3A_186 = arith.constant 0 : i32
        %dma_start3A_187 = arith.constant 0 : i32
        %dma_start3A_188 = tpu.memref_slice %arg12[%dma_start3A_186, %dma_start3A_187] : memref<10000x128xf32, #tpu.memory_space<vmem_shared>> -> memref<10000x128xf32, #tpu.memory_space<vmem_shared>>
        tpu.enqueue_indirect_dma source(%arg9 : memref<80x128xf32, #tpu.memory_space<vmem>>) target(%dma_start3A_188 : memref<10000x128xf32, #tpu.memory_space<vmem_shared>>) offsets(%dma_start3A_185 : memref<80xi32, #tpu.memory_space<vmem>>) semaphore(%run_scoped3A_182 : memref<!tpu.dma_semaphore, #tpu.memory_space<semaphore_mem>>) {add = true}
        %dma_wait3A_189 = arith.constant 0 : i32
        %dma_wait3A_190 = tpu.memref_slice %arg7[%run_scoped3A_173, %run_scoped3A_174, %dma_wait3A_189] : memref<2x1x80xi32, #tpu.memory_space<vmem>> -> memref<1x1x80xi32, #tpu.memory_space<vmem>>
        %dma_wait3A_191 = tpu.memref_squeeze %dma_wait3A_190 : memref<1x1x80xi32, #tpu.memory_space<vmem>> -> memref<80xi32, #tpu.memory_space<vmem>>
        %dma_wait3A_192 = arith.constant 0 : i32
        %dma_wait3A_193 = arith.constant 0 : i32
        %dma_wait3A_194 = tpu.memref_slice %arg12[%dma_wait3A_192, %dma_wait3A_193] : memref<10000x128xf32, #tpu.memory_space<vmem_shared>> -> memref<10000x128xf32, #tpu.memory_space<vmem_shared>>
        tpu.wait_indirect_dma semaphore(%run_scoped3A_182 : memref<!tpu.dma_semaphore, #tpu.memory_space<semaphore_mem>>) src(%arg9 : memref<80x128xf32, #tpu.memory_space<vmem>>) dst(%dma_wait3A_194 : memref<10000x128xf32, #tpu.memory_space<vmem_shared>>)
        tpu.yield
      }) : () -> ()
      %add3A_175 = arith.constant 2 : i32
      %add3A_176 = arith.addi %add3A_150, %add3A_175 : i32
      %lt3A_177 = arith.constant 125 : i32
      %lt3A_178 = arith.cmpi slt, %add3A_176, %lt3A_177 : i32
      %convert_element_type3A_179 = arith.extui %lt3A_178 : i1 to i32
      %cond3A_180 = arith.constant 0 : i32
      %cond3A_181 = arith.cmpi ne, %convert_element_type3A_179, %cond3A_180 : i32
      scf.if %cond3A_181 {
        %add3A_182 = arith.constant 2 : i32
        %add3A_183 = arith.addi %add3A_150, %add3A_182 : i32
        "tpu.region"() ({
          %run_scoped3A_200 = tpu.sem_alloc : memref<!tpu.dma_semaphore, #tpu.memory_space<semaphore_mem>>
          %dma_start3A_201 = arith.constant 0 : i32
          %dma_start3A_202 = arith.constant 0 : i32
          %dma_start3A_203 = arith.constant 0 : i32
          %dma_start3A_204 = tpu.memref_slice %arg4[%dma_start3A_201, %add3A, %add3A_183, %dma_start3A_202, %dma_start3A_203] : memref<2x32x125x1x80xi32, #tpu.memory_space<hbm>> -> memref<2x1x1x1x80xi32, #tpu.memory_space<hbm>>
          %dma_start3A_205 = tpu.memref_squeeze %dma_start3A_204 : memref<2x1x1x1x80xi32, #tpu.memory_space<hbm>> -> memref<2x1x80xi32, #tpu.memory_space<hbm>>
          %dma_start3A_206 = arith.constant 0 : i32
          %dma_start3A_207 = arith.constant 0 : i32
          %dma_start3A_208 = arith.constant 0 : i32
          %dma_start3A_209 = tpu.memref_slice %arg4[%dma_start3A_206, %add3A, %add3A_183, %dma_start3A_207, %dma_start3A_208] : memref<2x32x125x1x80xi32, #tpu.memory_space<hbm>> -> memref<2x1x1x1x80xi32, #tpu.memory_space<hbm>>
          %dma_start3A_210 = tpu.memref_squeeze %dma_start3A_209 : memref<2x1x1x1x80xi32, #tpu.memory_space<hbm>> -> memref<2x1x80xi32, #tpu.memory_space<hbm>>
          tpu.enqueue_dma source(%dma_start3A_210 : memref<2x1x80xi32, #tpu.memory_space<hbm>>) target(%arg7 : memref<2x1x80xi32, #tpu.memory_space<vmem>>) target_semaphore(%run_scoped3A_200 : memref<!tpu.dma_semaphore, #tpu.memory_space<semaphore_mem>>)
          %dma_wait3A_211 = arith.constant 0 : i32
          %dma_wait3A_212 = arith.constant 0 : i32
          %dma_wait3A_213 = arith.constant 0 : i32
          %dma_wait3A_214 = tpu.memref_slice %arg4[%dma_wait3A_211, %add3A, %add3A_183, %dma_wait3A_212, %dma_wait3A_213] : memref<2x32x125x1x80xi32, #tpu.memory_space<hbm>> -> memref<2x1x1x1x80xi32, #tpu.memory_space<hbm>>
          %dma_wait3A_215 = tpu.memref_squeeze %dma_wait3A_214 : memref<2x1x1x1x80xi32, #tpu.memory_space<hbm>> -> memref<2x1x80xi32, #tpu.memory_space<hbm>>
          %dma_wait3A_216 = arith.constant 0 : i32
          %dma_wait3A_217 = arith.constant 0 : i32
          %dma_wait3A_218 = arith.constant 0 : i32
          %dma_wait3A_219 = tpu.memref_slice %arg4[%dma_wait3A_216, %add3A, %add3A_183, %dma_wait3A_217, %dma_wait3A_218] : memref<2x32x125x1x80xi32, #tpu.memory_space<hbm>> -> memref<2x1x1x1x80xi32, #tpu.memory_space<hbm>>
          %dma_wait3A_220 = tpu.memref_squeeze %dma_wait3A_219 : memref<2x1x1x1x80xi32, #tpu.memory_space<hbm>> -> memref<2x1x80xi32, #tpu.memory_space<hbm>>
          tpu.wait_dma2 semaphore(%run_scoped3A_200 : memref<!tpu.dma_semaphore, #tpu.memory_space<semaphore_mem>>) src(%dma_wait3A_220 : memref<2x1x80xi32, #tpu.memory_space<hbm>>) dst(%arg7 : memref<2x1x80xi32, #tpu.memory_space<vmem>>)
          tpu.yield
        }) : () -> ()
        %dma_start3A_184 = arith.constant 0 : i32
        %dma_start3A_185 = arith.constant 0 : i32
        %dma_start3A_186 = arith.constant 0 : i32
        %dma_start3A_187 = tpu.memref_slice %arg7[%dma_start3A_184, %dma_start3A_185, %dma_start3A_186] : memref<2x1x80xi32, #tpu.memory_space<vmem>> -> memref<1x1x80xi32, #tpu.memory_space<vmem>>
        %dma_start3A_188 = tpu.memref_squeeze %dma_start3A_187 : memref<1x1x80xi32, #tpu.memory_space<vmem>> -> memref<80xi32, #tpu.memory_space<vmem>>
        %dma_start3A_189 = arith.constant 0 : i32
        %dma_start3A_190 = arith.constant 0 : i32
        %dma_start3A_191 = tpu.memref_slice %arg2[%dma_start3A_189, %dma_start3A_190] : memref<10000x128xf32, #tpu.memory_space<hbm>> -> memref<10000x128xf32, #tpu.memory_space<hbm>>
        tpu.enqueue_indirect_dma source(%dma_start3A_191 : memref<10000x128xf32, #tpu.memory_space<hbm>>) target(%arg9 : memref<80x128xf32, #tpu.memory_space<vmem>>) offsets(%dma_start3A_188 : memref<80xi32, #tpu.memory_space<vmem>>) semaphore(%arg14 : memref<!tpu.dma_semaphore, #tpu.memory_space<semaphore_mem>>)
        %mul3A_192 = arith.constant 80 : i32
        %mul3A_193 = arith.muli %add3A_183, %mul3A_192 : i32
        %dma_start3A_194 = arith.constant 0 : i32
        %dma_start3A_195 = tpu.memref_slice %arg3[%add3A, %mul3A_193, %dma_start3A_194] : memref<32x10000x128xf32, #tpu.memory_space<hbm>> -> memref<1x80x128xf32, #tpu.memory_space<hbm>>
        %dma_start3A_196 = tpu.memref_squeeze %dma_start3A_195 : memref<1x80x128xf32, #tpu.memory_space<hbm>> -> memref<80x128xf32, #tpu.memory_space<hbm>>
        %dma_start3A_197 = arith.constant 0 : i32
        %dma_start3A_198 = tpu.memref_slice %arg3[%add3A, %mul3A_193, %dma_start3A_197] : memref<32x10000x128xf32, #tpu.memory_space<hbm>> -> memref<1x80x128xf32, #tpu.memory_space<hbm>>
        %dma_start3A_199 = tpu.memref_squeeze %dma_start3A_198 : memref<1x80x128xf32, #tpu.memory_space<hbm>> -> memref<80x128xf32, #tpu.memory_space<hbm>>
        tpu.enqueue_dma source(%dma_start3A_199 : memref<80x128xf32, #tpu.memory_space<hbm>>) target(%arg11 : memref<80x128xf32, #tpu.memory_space<vmem>>) target_semaphore(%arg16 : memref<!tpu.dma_semaphore, #tpu.memory_space<semaphore_mem>>)
      } else {
      }
    }
    %scan3A_64 = arith.constant 62 : i32
    %dma_wait3A = arith.constant 0 : i32
    %dma_wait3A_65 = arith.constant 0 : i32
    %dma_wait3A_66 = arith.constant 0 : i32
    %dma_wait3A_67 = tpu.memref_slice %arg6[%dma_wait3A, %dma_wait3A_65, %dma_wait3A_66] : memref<2x1x80xi32, #tpu.memory_space<vmem>> -> memref<1x1x80xi32, #tpu.memory_space<vmem>>
    %dma_wait3A_68 = tpu.memref_squeeze %dma_wait3A_67 : memref<1x1x80xi32, #tpu.memory_space<vmem>> -> memref<80xi32, #tpu.memory_space<vmem>>
    %dma_wait3A_69 = arith.constant 0 : i32
    %dma_wait3A_70 = arith.constant 0 : i32
    %dma_wait3A_71 = tpu.memref_slice %arg2[%dma_wait3A_69, %dma_wait3A_70] : memref<10000x128xf32, #tpu.memory_space<hbm>> -> memref<10000x128xf32, #tpu.memory_space<hbm>>
    tpu.wait_indirect_dma semaphore(%arg13 : memref<!tpu.dma_semaphore, #tpu.memory_space<semaphore_mem>>) src(%dma_wait3A_71 : memref<10000x128xf32, #tpu.memory_space<hbm>>) dst(%arg8 : memref<80x128xf32, #tpu.memory_space<vmem>>)
    %dma_wait3A_72 = arith.constant 9920 : i32
    %dma_wait3A_73 = arith.constant 0 : i32
    %dma_wait3A_74 = tpu.memref_slice %arg3[%add3A, %dma_wait3A_72, %dma_wait3A_73] : memref<32x10000x128xf32, #tpu.memory_space<hbm>> -> memref<1x80x128xf32, #tpu.memory_space<hbm>>
    %dma_wait3A_75 = tpu.memref_squeeze %dma_wait3A_74 : memref<1x80x128xf32, #tpu.memory_space<hbm>> -> memref<80x128xf32, #tpu.memory_space<hbm>>
    %dma_wait3A_76 = arith.constant 9920 : i32
    %dma_wait3A_77 = arith.constant 0 : i32
    %dma_wait3A_78 = tpu.memref_slice %arg3[%add3A, %dma_wait3A_76, %dma_wait3A_77] : memref<32x10000x128xf32, #tpu.memory_space<hbm>> -> memref<1x80x128xf32, #tpu.memory_space<hbm>>
    %dma_wait3A_79 = tpu.memref_squeeze %dma_wait3A_78 : memref<1x80x128xf32, #tpu.memory_space<hbm>> -> memref<80x128xf32, #tpu.memory_space<hbm>>
    tpu.wait_dma2 semaphore(%arg15 : memref<!tpu.dma_semaphore, #tpu.memory_space<semaphore_mem>>) src(%dma_wait3A_79 : memref<80x128xf32, #tpu.memory_space<hbm>>) dst(%arg10 : memref<80x128xf32, #tpu.memory_space<vmem>>)
    %scan3A_80 = arith.constant 0 : i32
    %scan3A_81 = arith.constant 0 : i32
    %scan3A_82 = arith.constant 80 : i32
    %scan3A_83 = arith.addi %scan3A_81, %scan3A_82 : i32
    %scan3A_84 = arith.constant 1 : i32
    scf.for %scan3A_112 = %scan3A_81 to %scan3A_83 step %scan3A_84  : i32 {
      %get3A = arith.index_cast %scan3A_112 : i32 to index
      %get3A_113 = arith.constant 0 : index
      %get3A_114 = tpu.vector_load %arg8[%get3A, %get3A_113] {strides = array<i32>} : memref<80x128xf32, #tpu.memory_space<vmem>>, vector<1x16xf32>,
      %get3A_115 = vector.shape_cast %get3A_114 : vector<1x16xf32> to vector<16xf32>
      %get3A_116 = arith.index_cast %scan3A_112 : i32 to index
      %get3A_117 = arith.constant 0 : index
      %get3A_118 = tpu.vector_load %arg10[%get3A_116, %get3A_117] {strides = array<i32>} : memref<80x128xf32, #tpu.memory_space<vmem>>, vector<1x16xf32>,
      %get3A_119 = vector.shape_cast %get3A_118 : vector<1x16xf32> to vector<16xf32>
      %mul3A_120 = arith.mulf %get3A_115, %get3A_119 : vector<16xf32>
      %swap3A = arith.index_cast %scan3A_112 : i32 to index
      %swap3A_121 = arith.constant 0 : index
      %swap3A_122 = tpu.vector_load %arg8[%swap3A, %swap3A_121] {strides = array<i32>} : memref<80x128xf32, #tpu.memory_space<vmem>>, vector<1x16xf32>,
      %swap3A_123 = vector.shape_cast %swap3A_122 : vector<1x16xf32> to vector<16xf32>
      %swap3A_124 = vector.shape_cast %mul3A_120 : vector<16xf32> to vector<1x16xf32>
      tpu.vector_store %arg8[%swap3A, %swap3A_121], %swap3A_124 {strides = array<i32>} : memref<80x128xf32, #tpu.memory_space<vmem>>, vector<1x16xf32>,
      %get3A_125 = arith.index_cast %scan3A_112 : i32 to index
      %get3A_126 = arith.constant 16 : index
      %get3A_127 = tpu.vector_load %arg8[%get3A_125, %get3A_126] {strides = array<i32>} : memref<80x128xf32, #tpu.memory_space<vmem>>, vector<1x16xf32>,
      %get3A_128 = vector.shape_cast %get3A_127 : vector<1x16xf32> to vector<16xf32>
      %get3A_129 = arith.index_cast %scan3A_112 : i32 to index
      %get3A_130 = arith.constant 16 : index
      %get3A_131 = tpu.vector_load %arg10[%get3A_129, %get3A_130] {strides = array<i32>} : memref<80x128xf32, #tpu.memory_space<vmem>>, vector<1x16xf32>,
      %get3A_132 = vector.shape_cast %get3A_131 : vector<1x16xf32> to vector<16xf32>
      %mul3A_133 = arith.mulf %get3A_128, %get3A_132 : vector<16xf32>
      %swap3A_134 = arith.index_cast %scan3A_112 : i32 to index
      %swap3A_135 = arith.constant 16 : index
      %swap3A_136 = tpu.vector_load %arg8[%swap3A_134, %swap3A_135] {strides = array<i32>} : memref<80x128xf32, #tpu.memory_space<vmem>>, vector<1x16xf32>,
      %swap3A_137 = vector.shape_cast %swap3A_136 : vector<1x16xf32> to vector<16xf32>
      %swap3A_138 = vector.shape_cast %mul3A_133 : vector<16xf32> to vector<1x16xf32>
      tpu.vector_store %arg8[%swap3A_134, %swap3A_135], %swap3A_138 {strides = array<i32>} : memref<80x128xf32, #tpu.memory_space<vmem>>, vector<1x16xf32>,
      %get3A_139 = arith.index_cast %scan3A_112 : i32 to index
      %get3A_140 = arith.constant 32 : index
      %get3A_141 = tpu.vector_load %arg8[%get3A_139, %get3A_140] {strides = array<i32>} : memref<80x128xf32, #tpu.memory_space<vmem>>, vector<1x16xf32>,
      %get3A_142 = vector.shape_cast %get3A_141 : vector<1x16xf32> to vector<16xf32>
      %get3A_143 = arith.index_cast %scan3A_112 : i32 to index
      %get3A_144 = arith.constant 32 : index
      %get3A_145 = tpu.vector_load %arg10[%get3A_143, %get3A_144] {strides = array<i32>} : memref<80x128xf32, #tpu.memory_space<vmem>>, vector<1x16xf32>,
      %get3A_146 = vector.shape_cast %get3A_145 : vector<1x16xf32> to vector<16xf32>
      %mul3A_147 = arith.mulf %get3A_142, %get3A_146 : vector<16xf32>
      %swap3A_148 = arith.index_cast %scan3A_112 : i32 to index
      %swap3A_149 = arith.constant 32 : index
      %swap3A_150 = tpu.vector_load %arg8[%swap3A_148, %swap3A_149] {strides = array<i32>} : memref<80x128xf32, #tpu.memory_space<vmem>>, vector<1x16xf32>,
      %swap3A_151 = vector.shape_cast %swap3A_150 : vector<1x16xf32> to vector<16xf32>
      %swap3A_152 = vector.shape_cast %mul3A_147 : vector<16xf32> to vector<1x16xf32>
      tpu.vector_store %arg8[%swap3A_148, %swap3A_149], %swap3A_152 {strides = array<i32>} : memref<80x128xf32, #tpu.memory_space<vmem>>, vector<1x16xf32>,
      %get3A_153 = arith.index_cast %scan3A_112 : i32 to index
      %get3A_154 = arith.constant 48 : index
      %get3A_155 = tpu.vector_load %arg8[%get3A_153, %get3A_154] {strides = array<i32>} : memref<80x128xf32, #tpu.memory_space<vmem>>, vector<1x16xf32>,
      %get3A_156 = vector.shape_cast %get3A_155 : vector<1x16xf32> to vector<16xf32>
      %get3A_157 = arith.index_cast %scan3A_112 : i32 to index
      %get3A_158 = arith.constant 48 : index
      %get3A_159 = tpu.vector_load %arg10[%get3A_157, %get3A_158] {strides = array<i32>} : memref<80x128xf32, #tpu.memory_space<vmem>>, vector<1x16xf32>,
      %get3A_160 = vector.shape_cast %get3A_159 : vector<1x16xf32> to vector<16xf32>
      %mul3A_161 = arith.mulf %get3A_156, %get3A_160 : vector<16xf32>
      %swap3A_162 = arith.index_cast %scan3A_112 : i32 to index
      %swap3A_163 = arith.constant 48 : index
      %swap3A_164 = tpu.vector_load %arg8[%swap3A_162, %swap3A_163] {strides = array<i32>} : memref<80x128xf32, #tpu.memory_space<vmem>>, vector<1x16xf32>,
      %swap3A_165 = vector.shape_cast %swap3A_164 : vector<1x16xf32> to vector<16xf32>
      %swap3A_166 = vector.shape_cast %mul3A_161 : vector<16xf32> to vector<1x16xf32>
      tpu.vector_store %arg8[%swap3A_162, %swap3A_163], %swap3A_166 {strides = array<i32>} : memref<80x128xf32, #tpu.memory_space<vmem>>, vector<1x16xf32>,
      %get3A_167 = arith.index_cast %scan3A_112 : i32 to index
      %get3A_168 = arith.constant 64 : index
      %get3A_169 = tpu.vector_load %arg8[%get3A_167, %get3A_168] {strides = array<i32>} : memref<80x128xf32, #tpu.memory_space<vmem>>, vector<1x16xf32>,
      %get3A_170 = vector.shape_cast %get3A_169 : vector<1x16xf32> to vector<16xf32>
      %get3A_171 = arith.index_cast %scan3A_112 : i32 to index
      %get3A_172 = arith.constant 64 : index
      %get3A_173 = tpu.vector_load %arg10[%get3A_171, %get3A_172] {strides = array<i32>} : memref<80x128xf32, #tpu.memory_space<vmem>>, vector<1x16xf32>,
      %get3A_174 = vector.shape_cast %get3A_173 : vector<1x16xf32> to vector<16xf32>
      %mul3A_175 = arith.mulf %get3A_170, %get3A_174 : vector<16xf32>
      %swap3A_176 = arith.index_cast %scan3A_112 : i32 to index
      %swap3A_177 = arith.constant 64 : index
      %swap3A_178 = tpu.vector_load %arg8[%swap3A_176, %swap3A_177] {strides = array<i32>} : memref<80x128xf32, #tpu.memory_space<vmem>>, vector<1x16xf32>,
      %swap3A_179 = vector.shape_cast %swap3A_178 : vector<1x16xf32> to vector<16xf32>
      %swap3A_180 = vector.shape_cast %mul3A_175 : vector<16xf32> to vector<1x16xf32>
      tpu.vector_store %arg8[%swap3A_176, %swap3A_177], %swap3A_180 {strides = array<i32>} : memref<80x128xf32, #tpu.memory_space<vmem>>, vector<1x16xf32>,
      %get3A_181 = arith.index_cast %scan3A_112 : i32 to index
      %get3A_182 = arith.constant 80 : index
      %get3A_183 = tpu.vector_load %arg8[%get3A_181, %get3A_182] {strides = array<i32>} : memref<80x128xf32, #tpu.memory_space<vmem>>, vector<1x16xf32>,
      %get3A_184 = vector.shape_cast %get3A_183 : vector<1x16xf32> to vector<16xf32>
      %get3A_185 = arith.index_cast %scan3A_112 : i32 to index
      %get3A_186 = arith.constant 80 : index
      %get3A_187 = tpu.vector_load %arg10[%get3A_185, %get3A_186] {strides = array<i32>} : memref<80x128xf32, #tpu.memory_space<vmem>>, vector<1x16xf32>,
      %get3A_188 = vector.shape_cast %get3A_187 : vector<1x16xf32> to vector<16xf32>
      %mul3A_189 = arith.mulf %get3A_184, %get3A_188 : vector<16xf32>
      %swap3A_190 = arith.index_cast %scan3A_112 : i32 to index
      %swap3A_191 = arith.constant 80 : index
      %swap3A_192 = tpu.vector_load %arg8[%swap3A_190, %swap3A_191] {strides = array<i32>} : memref<80x128xf32, #tpu.memory_space<vmem>>, vector<1x16xf32>,
      %swap3A_193 = vector.shape_cast %swap3A_192 : vector<1x16xf32> to vector<16xf32>
      %swap3A_194 = vector.shape_cast %mul3A_189 : vector<16xf32> to vector<1x16xf32>
      tpu.vector_store %arg8[%swap3A_190, %swap3A_191], %swap3A_194 {strides = array<i32>} : memref<80x128xf32, #tpu.memory_space<vmem>>, vector<1x16xf32>,
      %get3A_195 = arith.index_cast %scan3A_112 : i32 to index
      %get3A_196 = arith.constant 96 : index
      %get3A_197 = tpu.vector_load %arg8[%get3A_195, %get3A_196] {strides = array<i32>} : memref<80x128xf32, #tpu.memory_space<vmem>>, vector<1x16xf32>,
      %get3A_198 = vector.shape_cast %get3A_197 : vector<1x16xf32> to vector<16xf32>
      %get3A_199 = arith.index_cast %scan3A_112 : i32 to index
      %get3A_200 = arith.constant 96 : index
      %get3A_201 = tpu.vector_load %arg10[%get3A_199, %get3A_200] {strides = array<i32>} : memref<80x128xf32, #tpu.memory_space<vmem>>, vector<1x16xf32>,
      %get3A_202 = vector.shape_cast %get3A_201 : vector<1x16xf32> to vector<16xf32>
      %mul3A_203 = arith.mulf %get3A_198, %get3A_202 : vector<16xf32>
      %swap3A_204 = arith.index_cast %scan3A_112 : i32 to index
      %swap3A_205 = arith.constant 96 : index
      %swap3A_206 = tpu.vector_load %arg8[%swap3A_204, %swap3A_205] {strides = array<i32>} : memref<80x128xf32, #tpu.memory_space<vmem>>, vector<1x16xf32>,
      %swap3A_207 = vector.shape_cast %swap3A_206 : vector<1x16xf32> to vector<16xf32>
      %swap3A_208 = vector.shape_cast %mul3A_203 : vector<16xf32> to vector<1x16xf32>
      tpu.vector_store %arg8[%swap3A_204, %swap3A_205], %swap3A_208 {strides = array<i32>} : memref<80x128xf32, #tpu.memory_space<vmem>>, vector<1x16xf32>,
      %get3A_209 = arith.index_cast %scan3A_112 : i32 to index
      %get3A_210 = arith.constant 112 : index
      %get3A_211 = tpu.vector_load %arg8[%get3A_209, %get3A_210] {strides = array<i32>} : memref<80x128xf32, #tpu.memory_space<vmem>>, vector<1x16xf32>,
      %get3A_212 = vector.shape_cast %get3A_211 : vector<1x16xf32> to vector<16xf32>
      %get3A_213 = arith.index_cast %scan3A_112 : i32 to index
      %get3A_214 = arith.constant 112 : index
      %get3A_215 = tpu.vector_load %arg10[%get3A_213, %get3A_214] {strides = array<i32>} : memref<80x128xf32, #tpu.memory_space<vmem>>, vector<1x16xf32>,
      %get3A_216 = vector.shape_cast %get3A_215 : vector<1x16xf32> to vector<16xf32>
      %mul3A_217 = arith.mulf %get3A_212, %get3A_216 : vector<16xf32>
      %swap3A_218 = arith.index_cast %scan3A_112 : i32 to index
      %swap3A_219 = arith.constant 112 : index
      %swap3A_220 = tpu.vector_load %arg8[%swap3A_218, %swap3A_219] {strides = array<i32>} : memref<80x128xf32, #tpu.memory_space<vmem>>, vector<1x16xf32>,
      %swap3A_221 = vector.shape_cast %swap3A_220 : vector<1x16xf32> to vector<16xf32>
      %swap3A_222 = vector.shape_cast %mul3A_217 : vector<16xf32> to vector<1x16xf32>
      tpu.vector_store %arg8[%swap3A_218, %swap3A_219], %swap3A_222 {strides = array<i32>} : memref<80x128xf32, #tpu.memory_space<vmem>>, vector<1x16xf32>,
    }
    %scan3A_85 = arith.constant 80 : i32
    %run_scoped3A_86 = arith.constant 1 : i32
    %run_scoped3A_87 = arith.constant 0 : i32
    "tpu.region"() ({
      %run_scoped3A_112 = tpu.sem_alloc : memref<!tpu.dma_semaphore, #tpu.memory_space<semaphore_mem>>
      %dma_start3A_113 = arith.constant 0 : i32
      %dma_start3A_114 = tpu.memref_slice %arg6[%run_scoped3A_86, %run_scoped3A_87, %dma_start3A_113] : memref<2x1x80xi32, #tpu.memory_space<vmem>> -> memref<1x1x80xi32, #tpu.memory_space<vmem>>
      %dma_start3A_115 = tpu.memref_squeeze %dma_start3A_114 : memref<1x1x80xi32, #tpu.memory_space<vmem>> -> memref<80xi32, #tpu.memory_space<vmem>>
      %dma_start3A_116 = arith.constant 0 : i32
      %dma_start3A_117 = arith.constant 0 : i32
      %dma_start3A_118 = tpu.memref_slice %arg12[%dma_start3A_116, %dma_start3A_117] : memref<10000x128xf32, #tpu.memory_space<vmem_shared>> -> memref<10000x128xf32, #tpu.memory_space<vmem_shared>>
      tpu.enqueue_indirect_dma source(%arg8 : memref<80x128xf32, #tpu.memory_space<vmem>>) target(%dma_start3A_118 : memref<10000x128xf32, #tpu.memory_space<vmem_shared>>) offsets(%dma_start3A_115 : memref<80xi32, #tpu.memory_space<vmem>>) semaphore(%run_scoped3A_112 : memref<!tpu.dma_semaphore, #tpu.memory_space<semaphore_mem>>) {add = true}
      %dma_wait3A_119 = arith.constant 0 : i32
      %dma_wait3A_120 = tpu.memref_slice %arg6[%run_scoped3A_86, %run_scoped3A_87, %dma_wait3A_119] : memref<2x1x80xi32, #tpu.memory_space<vmem>> -> memref<1x1x80xi32, #tpu.memory_space<vmem>>
      %dma_wait3A_121 = tpu.memref_squeeze %dma_wait3A_120 : memref<1x1x80xi32, #tpu.memory_space<vmem>> -> memref<80xi32, #tpu.memory_space<vmem>>
      %dma_wait3A_122 = arith.constant 0 : i32
      %dma_wait3A_123 = arith.constant 0 : i32
      %dma_wait3A_124 = tpu.memref_slice %arg12[%dma_wait3A_122, %dma_wait3A_123] : memref<10000x128xf32, #tpu.memory_space<vmem_shared>> -> memref<10000x128xf32, #tpu.memory_space<vmem_shared>>
      tpu.wait_indirect_dma semaphore(%run_scoped3A_112 : memref<!tpu.dma_semaphore, #tpu.memory_space<semaphore_mem>>) src(%arg8 : memref<80x128xf32, #tpu.memory_space<vmem>>) dst(%dma_wait3A_124 : memref<10000x128xf32, #tpu.memory_space<vmem_shared>>)
      tpu.yield
    }) : () -> ()
    %barrier3A_88 = arith.constant 0 : index
    tpu.barrier barrier_id(%barrier3A_88)
    %add3A_89 = arith.constant 0 : i32
    %add3A_90 = arith.addi %mul3A_7, %add3A_89 : i32
    "tpu.region"() ({
      %run_scoped3A_112 = tpu.sem_alloc : memref<!tpu.dma_semaphore, #tpu.memory_space<semaphore_mem>>
      %dma_start3A_113 = arith.constant 0 : i32
      %dma_start3A_114 = tpu.memref_slice %arg5[%arg0, %add3A_90, %dma_start3A_113] : memref<2x10000x128xf32, #tpu.memory_space<hbm>> -> memref<1x80x128xf32, #tpu.memory_space<hbm>>
      %dma_start3A_115 = tpu.memref_squeeze %dma_start3A_114 : memref<1x80x128xf32, #tpu.memory_space<hbm>> -> memref<80x128xf32, #tpu.memory_space<hbm>>
      %dma_start3A_116 = arith.constant 0 : i32
      %dma_start3A_117 = tpu.memref_slice %arg12[%add3A_90, %dma_start3A_116] : memref<10000x128xf32, #tpu.memory_space<vmem_shared>> -> memref<80x128xf32, #tpu.memory_space<vmem_shared>>
      tpu.enqueue_dma source(%dma_start3A_117 : memref<80x128xf32, #tpu.memory_space<vmem_shared>>) target(%dma_start3A_115 : memref<80x128xf32, #tpu.memory_space<hbm>>) target_semaphore(%run_scoped3A_112 : memref<!tpu.dma_semaphore, #tpu.memory_space<semaphore_mem>>)
      %dma_wait3A_118 = arith.constant 0 : i32
      %dma_wait3A_119 = tpu.memref_slice %arg5[%arg0, %add3A_90, %dma_wait3A_118] : memref<2x10000x128xf32, #tpu.memory_space<hbm>> -> memref<1x80x128xf32, #tpu.memory_space<hbm>>
      %dma_wait3A_120 = tpu.memref_squeeze %dma_wait3A_119 : memref<1x80x128xf32, #tpu.memory_space<hbm>> -> memref<80x128xf32, #tpu.memory_space<hbm>>
      %dma_wait3A_121 = arith.constant 0 : i32
      %dma_wait3A_122 = tpu.memref_slice %arg12[%add3A_90, %dma_wait3A_121] : memref<10000x128xf32, #tpu.memory_space<vmem_shared>> -> memref<80x128xf32, #tpu.memory_space<vmem_shared>>
      tpu.wait_dma2 semaphore(%run_scoped3A_112 : memref<!tpu.dma_semaphore, #tpu.memory_space<semaphore_mem>>) src(%dma_wait3A_122 : memref<80x128xf32, #tpu.memory_space<vmem_shared>>) dst(%dma_wait3A_120 : memref<80x128xf32, #tpu.memory_space<hbm>>)
      tpu.yield
    }) : () -> ()
    %add3A_91 = arith.constant 80 : i32
    %add3A_92 = arith.addi %mul3A_7, %add3A_91 : i32
    "tpu.region"() ({
      %run_scoped3A_112 = tpu.sem_alloc : memref<!tpu.dma_semaphore, #tpu.memory_space<semaphore_mem>>
      %dma_start3A_113 = arith.constant 0 : i32
      %dma_start3A_114 = tpu.memref_slice %arg5[%arg0, %add3A_92, %dma_start3A_113] : memref<2x10000x128xf32, #tpu.memory_space<hbm>> -> memref<1x80x128xf32, #tpu.memory_space<hbm>>
      %dma_start3A_115 = tpu.memref_squeeze %dma_start3A_114 : memref<1x80x128xf32, #tpu.memory_space<hbm>> -> memref<80x128xf32, #tpu.memory_space<hbm>>
      %dma_start3A_116 = arith.constant 0 : i32
      %dma_start3A_117 = tpu.memref_slice %arg12[%add3A_92, %dma_start3A_116] : memref<10000x128xf32, #tpu.memory_space<vmem_shared>> -> memref<80x128xf32, #tpu.memory_space<vmem_shared>>
      tpu.enqueue_dma source(%dma_start3A_117 : memref<80x128xf32, #tpu.memory_space<vmem_shared>>) target(%dma_start3A_115 : memref<80x128xf32, #tpu.memory_space<hbm>>) target_semaphore(%run_scoped3A_112 : memref<!tpu.dma_semaphore, #tpu.memory_space<semaphore_mem>>)
      %dma_wait3A_118 = arith.constant 0 : i32
      %dma_wait3A_119 = tpu.memref_slice %arg5[%arg0, %add3A_92, %dma_wait3A_118] : memref<2x10000x128xf32, #tpu.memory_space<hbm>> -> memref<1x80x128xf32, #tpu.memory_space<hbm>>
      %dma_wait3A_120 = tpu.memref_squeeze %dma_wait3A_119 : memref<1x80x128xf32, #tpu.memory_space<hbm>> -> memref<80x128xf32, #tpu.memory_space<hbm>>
      %dma_wait3A_121 = arith.constant 0 : i32
      %dma_wait3A_122 = tpu.memref_slice %arg12[%add3A_92, %dma_wait3A_121] : memref<10000x128xf32, #tpu.memory_space<vmem_shared>> -> memref<80x128xf32, #tpu.memory_space<vmem_shared>>
      tpu.wait_dma2 semaphore(%run_scoped3A_112 : memref<!tpu.dma_semaphore, #tpu.memory_space<semaphore_mem>>) src(%dma_wait3A_122 : memref<80x128xf32, #tpu.memory_space<vmem_shared>>) dst(%dma_wait3A_120 : memref<80x128xf32, #tpu.memory_space<hbm>>)
      tpu.yield
    }) : () -> ()
    %add3A_93 = arith.constant 160 : i32
    %add3A_94 = arith.addi %mul3A_7, %add3A_93 : i32
    "tpu.region"() ({
      %run_scoped3A_112 = tpu.sem_alloc : memref<!tpu.dma_semaphore, #tpu.memory_space<semaphore_mem>>
      %dma_start3A_113 = arith.constant 0 : i32
      %dma_start3A_114 = tpu.memref_slice %arg5[%arg0, %add3A_94, %dma_start3A_113] : memref<2x10000x128xf32, #tpu.memory_space<hbm>> -> memref<1x80x128xf32, #tpu.memory_space<hbm>>
      %dma_start3A_115 = tpu.memref_squeeze %dma_start3A_114 : memref<1x80x128xf32, #tpu.memory_space<hbm>> -> memref<80x128xf32, #tpu.memory_space<hbm>>
      %dma_start3A_116 = arith.constant 0 : i32
      %dma_start3A_117 = tpu.memref_slice %arg12[%add3A_94, %dma_start3A_116] : memref<10000x128xf32, #tpu.memory_space<vmem_shared>> -> memref<80x128xf32, #tpu.memory_space<vmem_shared>>
      tpu.enqueue_dma source(%dma_start3A_117 : memref<80x128xf32, #tpu.memory_space<vmem_shared>>) target(%dma_start3A_115 : memref<80x128xf32, #tpu.memory_space<hbm>>) target_semaphore(%run_scoped3A_112 : memref<!tpu.dma_semaphore, #tpu.memory_space<semaphore_mem>>)
      %dma_wait3A_118 = arith.constant 0 : i32
      %dma_wait3A_119 = tpu.memref_slice %arg5[%arg0, %add3A_94, %dma_wait3A_118] : memref<2x10000x128xf32, #tpu.memory_space<hbm>> -> memref<1x80x128xf32, #tpu.memory_space<hbm>>
      %dma_wait3A_120 = tpu.memref_squeeze %dma_wait3A_119 : memref<1x80x128xf32, #tpu.memory_space<hbm>> -> memref<80x128xf32, #tpu.memory_space<hbm>>
      %dma_wait3A_121 = arith.constant 0 : i32
      %dma_wait3A_122 = tpu.memref_slice %arg12[%add3A_94, %dma_wait3A_121] : memref<10000x128xf32, #tpu.memory_space<vmem_shared>> -> memref<80x128xf32, #tpu.memory_space<vmem_shared>>
      tpu.wait_dma2 semaphore(%run_scoped3A_112 : memref<!tpu.dma_semaphore, #tpu.memory_space<semaphore_mem>>) src(%dma_wait3A_122 : memref<80x128xf32, #tpu.memory_space<vmem_shared>>) dst(%dma_wait3A_120 : memref<80x128xf32, #tpu.memory_space<hbm>>)
      tpu.yield
    }) : () -> ()
    %add3A_95 = arith.constant 240 : i32
    %add3A_96 = arith.addi %mul3A_7, %add3A_95 : i32
    "tpu.region"() ({
      %run_scoped3A_112 = tpu.sem_alloc : memref<!tpu.dma_semaphore, #tpu.memory_space<semaphore_mem>>
      %dma_start3A_113 = arith.constant 0 : i32
      %dma_start3A_114 = tpu.memref_slice %arg5[%arg0, %add3A_96, %dma_start3A_113] : memref<2x10000x128xf32, #tpu.memory_space<hbm>> -> memref<1x80x128xf32, #tpu.memory_space<hbm>>
      %dma_start3A_115 = tpu.memref_squeeze %dma_start3A_114 : memref<1x80x128xf32, #tpu.memory_space<hbm>> -> memref<80x128xf32, #tpu.memory_space<hbm>>
      %dma_start3A_116 = arith.constant 0 : i32
      %dma_start3A_117 = tpu.memref_slice %arg12[%add3A_96, %dma_start3A_116] : memref<10000x128xf32, #tpu.memory_space<vmem_shared>> -> memref<80x128xf32, #tpu.memory_space<vmem_shared>>
      tpu.enqueue_dma source(%dma_start3A_117 : memref<80x128xf32, #tpu.memory_space<vmem_shared>>) target(%dma_start3A_115 : memref<80x128xf32, #tpu.memory_space<hbm>>) target_semaphore(%run_scoped3A_112 : memref<!tpu.dma_semaphore, #tpu.memory_space<semaphore_mem>>)
      %dma_wait3A_118 = arith.constant 0 : i32
      %dma_wait3A_119 = tpu.memref_slice %arg5[%arg0, %add3A_96, %dma_wait3A_118] : memref<2x10000x128xf32, #tpu.memory_space<hbm>> -> memref<1x80x128xf32, #tpu.memory_space<hbm>>
      %dma_wait3A_120 = tpu.memref_squeeze %dma_wait3A_119 : memref<1x80x128xf32, #tpu.memory_space<hbm>> -> memref<80x128xf32, #tpu.memory_space<hbm>>
      %dma_wait3A_121 = arith.constant 0 : i32
      %dma_wait3A_122 = tpu.memref_slice %arg12[%add3A_96, %dma_wait3A_121] : memref<10000x128xf32, #tpu.memory_space<vmem_shared>> -> memref<80x128xf32, #tpu.memory_space<vmem_shared>>
      tpu.wait_dma2 semaphore(%run_scoped3A_112 : memref<!tpu.dma_semaphore, #tpu.memory_space<semaphore_mem>>) src(%dma_wait3A_122 : memref<80x128xf32, #tpu.memory_space<vmem_shared>>) dst(%dma_wait3A_120 : memref<80x128xf32, #tpu.memory_space<hbm>>)
      tpu.yield
    }) : () -> ()
    %add3A_97 = arith.constant 320 : i32
    %add3A_98 = arith.addi %mul3A_7, %add3A_97 : i32
    "tpu.region"() ({
      %run_scoped3A_112 = tpu.sem_alloc : memref<!tpu.dma_semaphore, #tpu.memory_space<semaphore_mem>>
      %dma_start3A_113 = arith.constant 0 : i32
      %dma_start3A_114 = tpu.memref_slice %arg5[%arg0, %add3A_98, %dma_start3A_113] : memref<2x10000x128xf32, #tpu.memory_space<hbm>> -> memref<1x80x128xf32, #tpu.memory_space<hbm>>
      %dma_start3A_115 = tpu.memref_squeeze %dma_start3A_114 : memref<1x80x128xf32, #tpu.memory_space<hbm>> -> memref<80x128xf32, #tpu.memory_space<hbm>>
      %dma_start3A_116 = arith.constant 0 : i32
      %dma_start3A_117 = tpu.memref_slice %arg12[%add3A_98, %dma_start3A_116] : memref<10000x128xf32, #tpu.memory_space<vmem_shared>> -> memref<80x128xf32, #tpu.memory_space<vmem_shared>>
      tpu.enqueue_dma source(%dma_start3A_117 : memref<80x128xf32, #tpu.memory_space<vmem_shared>>) target(%dma_start3A_115 : memref<80x128xf32, #tpu.memory_space<hbm>>) target_semaphore(%run_scoped3A_112 : memref<!tpu.dma_semaphore, #tpu.memory_space<semaphore_mem>>)
      %dma_wait3A_118 = arith.constant 0 : i32
      %dma_wait3A_119 = tpu.memref_slice %arg5[%arg0, %add3A_98, %dma_wait3A_118] : memref<2x10000x128xf32, #tpu.memory_space<hbm>> -> memref<1x80x128xf32, #tpu.memory_space<hbm>>
      %dma_wait3A_120 = tpu.memref_squeeze %dma_wait3A_119 : memref<1x80x128xf32, #tpu.memory_space<hbm>> -> memref<80x128xf32, #tpu.memory_space<hbm>>
      %dma_wait3A_121 = arith.constant 0 : i32
      %dma_wait3A_122 = tpu.memref_slice %arg12[%add3A_98, %dma_wait3A_121] : memref<10000x128xf32, #tpu.memory_space<vmem_shared>> -> memref<80x128xf32, #tpu.memory_space<vmem_shared>>
      tpu.wait_dma2 semaphore(%run_scoped3A_112 : memref<!tpu.dma_semaphore, #tpu.memory_space<semaphore_mem>>) src(%dma_wait3A_122 : memref<80x128xf32, #tpu.memory_space<vmem_shared>>) dst(%dma_wait3A_120 : memref<80x128xf32, #tpu.memory_space<hbm>>)
      tpu.yield
    }) : () -> ()
    %add3A_99 = arith.constant 400 : i32
    %add3A_100 = arith.addi %mul3A_7, %add3A_99 : i32
    "tpu.region"() ({
      %run_scoped3A_112 = tpu.sem_alloc : memref<!tpu.dma_semaphore, #tpu.memory_space<semaphore_mem>>
      %dma_start3A_113 = arith.constant 0 : i32
      %dma_start3A_114 = tpu.memref_slice %arg5[%arg0, %add3A_100, %dma_start3A_113] : memref<2x10000x128xf32, #tpu.memory_space<hbm>> -> memref<1x80x128xf32, #tpu.memory_space<hbm>>
      %dma_start3A_115 = tpu.memref_squeeze %dma_start3A_114 : memref<1x80x128xf32, #tpu.memory_space<hbm>> -> memref<80x128xf32, #tpu.memory_space<hbm>>
      %dma_start3A_116 = arith.constant 0 : i32
      %dma_start3A_117 = tpu.memref_slice %arg12[%add3A_100, %dma_start3A_116] : memref<10000x128xf32, #tpu.memory_space<vmem_shared>> -> memref<80x128xf32, #tpu.memory_space<vmem_shared>>
      tpu.enqueue_dma source(%dma_start3A_117 : memref<80x128xf32, #tpu.memory_space<vmem_shared>>) target(%dma_start3A_115 : memref<80x128xf32, #tpu.memory_space<hbm>>) target_semaphore(%run_scoped3A_112 : memref<!tpu.dma_semaphore, #tpu.memory_space<semaphore_mem>>)
      %dma_wait3A_118 = arith.constant 0 : i32
      %dma_wait3A_119 = tpu.memref_slice %arg5[%arg0, %add3A_100, %dma_wait3A_118] : memref<2x10000x128xf32, #tpu.memory_space<hbm>> -> memref<1x80x128xf32, #tpu.memory_space<hbm>>
      %dma_wait3A_120 = tpu.memref_squeeze %dma_wait3A_119 : memref<1x80x128xf32, #tpu.memory_space<hbm>> -> memref<80x128xf32, #tpu.memory_space<hbm>>
      %dma_wait3A_121 = arith.constant 0 : i32
      %dma_wait3A_122 = tpu.memref_slice %arg12[%add3A_100, %dma_wait3A_121] : memref<10000x128xf32, #tpu.memory_space<vmem_shared>> -> memref<80x128xf32, #tpu.memory_space<vmem_shared>>
      tpu.wait_dma2 semaphore(%run_scoped3A_112 : memref<!tpu.dma_semaphore, #tpu.memory_space<semaphore_mem>>) src(%dma_wait3A_122 : memref<80x128xf32, #tpu.memory_space<vmem_shared>>) dst(%dma_wait3A_120 : memref<80x128xf32, #tpu.memory_space<hbm>>)
      tpu.yield
    }) : () -> ()
    %add3A_101 = arith.constant 480 : i32
    %add3A_102 = arith.addi %mul3A_7, %add3A_101 : i32
    "tpu.region"() ({
      %run_scoped3A_112 = tpu.sem_alloc : memref<!tpu.dma_semaphore, #tpu.memory_space<semaphore_mem>>
      %dma_start3A_113 = arith.constant 0 : i32
      %dma_start3A_114 = tpu.memref_slice %arg5[%arg0, %add3A_102, %dma_start3A_113] : memref<2x10000x128xf32, #tpu.memory_space<hbm>> -> memref<1x80x128xf32, #tpu.memory_space<hbm>>
      %dma_start3A_115 = tpu.memref_squeeze %dma_start3A_114 : memref<1x80x128xf32, #tpu.memory_space<hbm>> -> memref<80x128xf32, #tpu.memory_space<hbm>>
      %dma_start3A_116 = arith.constant 0 : i32
      %dma_start3A_117 = tpu.memref_slice %arg12[%add3A_102, %dma_start3A_116] : memref<10000x128xf32, #tpu.memory_space<vmem_shared>> -> memref<80x128xf32, #tpu.memory_space<vmem_shared>>
      tpu.enqueue_dma source(%dma_start3A_117 : memref<80x128xf32, #tpu.memory_space<vmem_shared>>) target(%dma_start3A_115 : memref<80x128xf32, #tpu.memory_space<hbm>>) target_semaphore(%run_scoped3A_112 : memref<!tpu.dma_semaphore, #tpu.memory_space<semaphore_mem>>)
      %dma_wait3A_118 = arith.constant 0 : i32
      %dma_wait3A_119 = tpu.memref_slice %arg5[%arg0, %add3A_102, %dma_wait3A_118] : memref<2x10000x128xf32, #tpu.memory_space<hbm>> -> memref<1x80x128xf32, #tpu.memory_space<hbm>>
      %dma_wait3A_120 = tpu.memref_squeeze %dma_wait3A_119 : memref<1x80x128xf32, #tpu.memory_space<hbm>> -> memref<80x128xf32, #tpu.memory_space<hbm>>
      %dma_wait3A_121 = arith.constant 0 : i32
      %dma_wait3A_122 = tpu.memref_slice %arg12[%add3A_102, %dma_wait3A_121] : memref<10000x128xf32, #tpu.memory_space<vmem_shared>> -> memref<80x128xf32, #tpu.memory_space<vmem_shared>>
      tpu.wait_dma2 semaphore(%run_scoped3A_112 : memref<!tpu.dma_semaphore, #tpu.memory_space<semaphore_mem>>) src(%dma_wait3A_122 : memref<80x128xf32, #tpu.memory_space<vmem_shared>>) dst(%dma_wait3A_120 : memref<80x128xf32, #tpu.memory_space<hbm>>)
      tpu.yield
    }) : () -> ()
    %add3A_103 = arith.constant 624 : i32
    %add3A_104 = arith.addi %mul3A_7, %add3A_103 : i32
    %sub3A_105 = arith.constant 64 : i32
    %sub3A_106 = arith.subi %add3A_104, %sub3A_105 : i32
    "tpu.region"() ({
      %run_scoped3A_112 = tpu.sem_alloc : memref<!tpu.dma_semaphore, #tpu.memory_space<semaphore_mem>>
      %dma_start3A_113 = arith.constant 0 : i32
      %dma_start3A_114 = tpu.memref_slice %arg5[%arg0, %sub3A_106, %dma_start3A_113] : memref<2x10000x128xf32, #tpu.memory_space<hbm>> -> memref<1x64x128xf32, #tpu.memory_space<hbm>>
      %dma_start3A_115 = tpu.memref_squeeze %dma_start3A_114 : memref<1x64x128xf32, #tpu.memory_space<hbm>> -> memref<64x128xf32, #tpu.memory_space<hbm>>
      %dma_start3A_116 = arith.constant 0 : i32
      %dma_start3A_117 = tpu.memref_slice %arg12[%sub3A_106, %dma_start3A_116] : memref<10000x128xf32, #tpu.memory_space<vmem_shared>> -> memref<64x128xf32, #tpu.memory_space<vmem_shared>>
      tpu.enqueue_dma source(%dma_start3A_117 : memref<64x128xf32, #tpu.memory_space<vmem_shared>>) target(%dma_start3A_115 : memref<64x128xf32, #tpu.memory_space<hbm>>) target_semaphore(%run_scoped3A_112 : memref<!tpu.dma_semaphore, #tpu.memory_space<semaphore_mem>>)
      %dma_wait3A_118 = arith.constant 0 : i32
      %dma_wait3A_119 = tpu.memref_slice %arg5[%arg0, %sub3A_106, %dma_wait3A_118] : memref<2x10000x128xf32, #tpu.memory_space<hbm>> -> memref<1x64x128xf32, #tpu.memory_space<hbm>>
      %dma_wait3A_120 = tpu.memref_squeeze %dma_wait3A_119 : memref<1x64x128xf32, #tpu.memory_space<hbm>> -> memref<64x128xf32, #tpu.memory_space<hbm>>
      %dma_wait3A_121 = arith.constant 0 : i32
      %dma_wait3A_122 = tpu.memref_slice %arg12[%sub3A_106, %dma_wait3A_121] : memref<10000x128xf32, #tpu.memory_space<vmem_shared>> -> memref<64x128xf32, #tpu.memory_space<vmem_shared>>
      tpu.wait_dma2 semaphore(%run_scoped3A_112 : memref<!tpu.dma_semaphore, #tpu.memory_space<semaphore_mem>>) src(%dma_wait3A_122 : memref<64x128xf32, #tpu.memory_space<vmem_shared>>) dst(%dma_wait3A_120 : memref<64x128xf32, #tpu.memory_space<hbm>>)
      tpu.yield
    }) : () -> ()
    %eq3A_107 = arith.constant 15 : i32
    %eq3A_108 = arith.cmpi eq, %arg1, %eq3A_107 : i32
    %convert_element_type3A_109 = arith.extui %eq3A_108 : i1 to i32
    %cond3A_110 = arith.constant 0 : i32
    %cond3A_111 = arith.cmpi ne, %convert_element_type3A_109, %cond3A_110 : i32
    scf.if %cond3A_111 {
      "tpu.region"() ({
        %run_scoped3A_112 = tpu.sem_alloc : memref<!tpu.dma_semaphore, #tpu.memory_space<semaphore_mem>>
        %dma_start3A_113 = arith.constant 9984 : i32
        %dma_start3A_114 = arith.constant 0 : i32
        %dma_start3A_115 = tpu.memref_slice %arg5[%arg0, %dma_start3A_113, %dma_start3A_114] : memref<2x10000x128xf32, #tpu.memory_space<hbm>> -> memref<1x16x128xf32, #tpu.memory_space<hbm>>
        %dma_start3A_116 = tpu.memref_squeeze %dma_start3A_115 : memref<1x16x128xf32, #tpu.memory_space<hbm>> -> memref<16x128xf32, #tpu.memory_space<hbm>>
        %dma_start3A_117 = arith.constant 9984 : i32
        %dma_start3A_118 = arith.constant 0 : i32
        %dma_start3A_119 = tpu.memref_slice %arg12[%dma_start3A_117, %dma_start3A_118] : memref<10000x128xf32, #tpu.memory_space<vmem_shared>> -> memref<16x128xf32, #tpu.memory_space<vmem_shared>>
        tpu.enqueue_dma source(%dma_start3A_119 : memref<16x128xf32, #tpu.memory_space<vmem_shared>>) target(%dma_start3A_116 : memref<16x128xf32, #tpu.memory_space<hbm>>) target_semaphore(%run_scoped3A_112 : memref<!tpu.dma_semaphore, #tpu.memory_space<semaphore_mem>>)
        %dma_wait3A_120 = arith.constant 9984 : i32
        %dma_wait3A_121 = arith.constant 0 : i32
        %dma_wait3A_122 = tpu.memref_slice %arg5[%arg0, %dma_wait3A_120, %dma_wait3A_121] : memref<2x10000x128xf32, #tpu.memory_space<hbm>> -> memref<1x16x128xf32, #tpu.memory_space<hbm>>
        %dma_wait3A_123 = tpu.memref_squeeze %dma_wait3A_122 : memref<1x16x128xf32, #tpu.memory_space<hbm>> -> memref<16x128xf32, #tpu.memory_space<hbm>>
        %dma_wait3A_124 = arith.constant 9984 : i32
        %dma_wait3A_125 = arith.constant 0 : i32
        %dma_wait3A_126 = tpu.memref_slice %arg12[%dma_wait3A_124, %dma_wait3A_125] : memref<10000x128xf32, #tpu.memory_space<vmem_shared>> -> memref<16x128xf32, #tpu.memory_space<vmem_shared>>
        tpu.wait_dma2 semaphore(%run_scoped3A_112 : memref<!tpu.dma_semaphore, #tpu.memory_space<semaphore_mem>>) src(%dma_wait3A_126 : memref<16x128xf32, #tpu.memory_space<vmem_shared>>) dst(%dma_wait3A_123 : memref<16x128xf32, #tpu.memory_space<hbm>>)
        tpu.yield
      }) : () -> ()
    } else {
    }
    return
  }
}

module attributes {stable_mosaic.version = 14 : i64} {
  func.func @_radial_body(%arg0: i32, %arg1: memref<16x2560xf32, #tpu.memory_space<vmem>>, %arg2: memref<16x128xf32, #tpu.memory_space<vmem>>, %arg3: memref<1x128xf32, #tpu.memory_space<vmem>>, %arg4: memref<128x128xbf16, #tpu.memory_space<vmem>>, %arg5: memref<1x128xf32, #tpu.memory_space<vmem>>, %arg6: memref<2560x128xf32, #tpu.memory_space<vmem>>) attributes {dimension_semantics = [#tpu.dimension_semantics<arbitrary>], iteration_bounds = array<i64: 125>, scalar_prefetch = 0 : i64, scratch_operands = 0 : i64, tpu.core_type = #tpu.core_type<tc>, window_params = [{transform_indices = @transform_0, window_bounds = array<i64: 16, 2560>}, {pipeline_mode = #tpu.pipeline_mode<synchronous>, transform_indices = @transform_1, window_bounds = array<i64: 16, 128>}, {pipeline_mode = #tpu.pipeline_mode<synchronous>, transform_indices = @transform_2, window_bounds = array<i64: 1, 128>}, {pipeline_mode = #tpu.pipeline_mode<synchronous>, transform_indices = @transform_3, window_bounds = array<i64: 128, 128>}, {pipeline_mode = #tpu.pipeline_mode<synchronous>, transform_indices = @transform_4, window_bounds = array<i64: 1, 128>}, {transform_indices = @transform_5, window_bounds = array<i64: 2560, 128>}]} {
    %get3A = arith.constant 0 : index
    %get3A_0 = arith.constant 0 : index
    %get3A_1 = vector.load %arg1[%get3A, %get3A_0] : memref<16x2560xf32, #tpu.memory_space<vmem>>, vector<16x2560xf32>
    %get3A_2 = arith.constant 0 : index
    %get3A_3 = arith.constant 0 : index
    %get3A_4 = vector.load %arg2[%get3A_2, %get3A_3] : memref<16x128xf32, #tpu.memory_space<vmem>>, vector<16x128xf32>
    %dot_general3A = arith.constant dense<0.000000e+00> : vector<2560x128xf32>
    %dot_general3A_5 = tpu.matmul %get3A_1, %get3A_4, %dot_general3A {dimension_numbers = #tpu.dot_dimension_numbers<[0], [0], [1], [1], [0, 1, 1, 1], [], []>, transpose_lhs_hint = false} : vector<16x2560xf32>, vector<16x128xf32>, vector<2560x128xf32> -> vector<2560x128xf32>
    %get3A_6 = arith.constant 0 : index
    %get3A_7 = arith.constant 0 : index
    %get3A_8 = vector.load %arg3[%get3A_6, %get3A_7] : memref<1x128xf32, #tpu.memory_space<vmem>>, vector<1x128xf32>
    %add3A = vector.broadcast %get3A_8 : vector<1x128xf32> to vector<2560x128xf32>
    %add3A_9 = arith.addf %dot_general3A_5, %add3A : vector<2560x128xf32>
    %logistic3A = arith.negf %add3A_9 : vector<2560x128xf32>
    %logistic3A_10 = math.exp %logistic3A : vector<2560x128xf32>
    %logistic3A_11 = arith.constant 1.000000e+00 : f32
    %logistic3A_12 = vector.broadcast %logistic3A_11 : f32 to vector<2560x128xf32>
    %logistic3A_13 = arith.addf %logistic3A_12, %logistic3A_10 : vector<2560x128xf32>
    %logistic3A_14 = arith.divf %logistic3A_12, %logistic3A_13 : vector<2560x128xf32>
    %mul3A = arith.mulf %add3A_9, %logistic3A_14 : vector<2560x128xf32>
    %convert_element_type3A = arith.truncf %mul3A : vector<2560x128xf32> to vector<2560x128xbf16>
    %get3A_15 = arith.constant 0 : index
    %get3A_16 = arith.constant 0 : index
    %get3A_17 = vector.load %arg4[%get3A_15, %get3A_16] : memref<128x128xbf16, #tpu.memory_space<vmem>>, vector<128x128xbf16>
    %dot_general3A_18 = arith.constant dense<0.000000e+00> : vector<2560x128xf32>
    %dot_general3A_19 = tpu.matmul %convert_element_type3A, %get3A_17, %dot_general3A_18 {dimension_numbers = #tpu.dot_dimension_numbers<[1], [0], [0], [1], [0, 0, 1, 1], [], []>, transpose_lhs_hint = false} : vector<2560x128xbf16>, vector<128x128xbf16>, vector<2560x128xf32> -> vector<2560x128xf32>
    %get3A_20 = arith.constant 0 : index
    %get3A_21 = arith.constant 0 : index
    %get3A_22 = vector.load %arg5[%get3A_20, %get3A_21] : memref<1x128xf32, #tpu.memory_space<vmem>>, vector<1x128xf32>
    %add3A_23 = vector.broadcast %get3A_22 : vector<1x128xf32> to vector<2560x128xf32>
    %add3A_24 = arith.addf %dot_general3A_19, %add3A_23 : vector<2560x128xf32>
    %swap3A = arith.constant 0 : index
    %swap3A_25 = arith.constant 0 : index
    %swap3A_26 = vector.load %arg6[%swap3A, %swap3A_25] : memref<2560x128xf32, #tpu.memory_space<vmem>>, vector<2560x128xf32>
    tpu.vector_store %arg6[%swap3A, %swap3A_25], %add3A_24 {strides = array<i32>} : memref<2560x128xf32, #tpu.memory_space<vmem>>, vector<2560x128xf32>,
    return
  }
  func.func @transform_0(%arg0: i32) -> (i32, i32) {
    %c0_i32 = arith.constant 0 : i32
    %c0_i32_0 = arith.constant 0 : i32
    return %c0_i32, %arg0 : i32, i32
  }
  func.func @transform_1(%arg0: i32) -> (i32, i32) {
    %c0_i32 = arith.constant 0 : i32
    %c0_i32_0 = arith.constant 0 : i32
    %c0_i32_1 = arith.constant 0 : i32
    return %c0_i32, %c0_i32_0 : i32, i32
  }
  func.func @transform_2(%arg0: i32) -> (i32, i32) {
    %c0_i32 = arith.constant 0 : i32
    %c0_i32_0 = arith.constant 0 : i32
    %c0_i32_1 = arith.constant 0 : i32
    return %c0_i32, %c0_i32_0 : i32, i32
  }
  func.func @transform_3(%arg0: i32) -> (i32, i32) {
    %c0_i32 = arith.constant 0 : i32
    %c0_i32_0 = arith.constant 0 : i32
    %c0_i32_1 = arith.constant 0 : i32
    return %c0_i32, %c0_i32_0 : i32, i32
  }
  func.func @transform_4(%arg0: i32) -> (i32, i32) {
    %c0_i32 = arith.constant 0 : i32
    %c0_i32_0 = arith.constant 0 : i32
    %c0_i32_1 = arith.constant 0 : i32
    return %c0_i32, %c0_i32_0 : i32, i32
  }
  func.func @transform_5(%arg0: i32) -> (i32, i32) {
    %c0_i32 = arith.constant 0 : i32
    %c0_i32_0 = arith.constant 0 : i32
    return %arg0, %c0_i32 : i32, i32
  }
}

module attributes {stable_mosaic.version = 14 : i64} {
  func.func @_mlp_body(%arg0: i32, %arg1: memref<2x1000x128xf32, #tpu.memory_space<vmem>>, %arg2: memref<128x128xf32, #tpu.memory_space<vmem>>, %arg3: memref<1x128xf32, #tpu.memory_space<vmem>>, %arg4: memref<128x128xf32, #tpu.memory_space<vmem>>, %arg5: memref<1x128xf32, #tpu.memory_space<vmem>>, %arg6: memref<128x128xf32, #tpu.memory_space<vmem>>, %arg7: memref<1x128xf32, #tpu.memory_space<vmem>>, %arg8: memref<128x1xf32, #tpu.memory_space<vmem>>, %arg9: memref<1x1xf32, #tpu.memory_space<vmem>>, %arg10: memref<1000x1xf32, #tpu.memory_space<vmem>>) attributes {dimension_semantics = [#tpu.dimension_semantics<arbitrary>], iteration_bounds = array<i64: 10>, scalar_prefetch = 0 : i64, scratch_operands = 0 : i64, tpu.core_type = #tpu.core_type<tc>, window_params = [{transform_indices = @transform_0, window_bounds = array<i64: 2, 1000, 128>}, {pipeline_mode = #tpu.pipeline_mode<synchronous>, transform_indices = @transform_1, window_bounds = array<i64: 128, 128>}, {pipeline_mode = #tpu.pipeline_mode<synchronous>, transform_indices = @transform_2, window_bounds = array<i64: 1, 128>}, {pipeline_mode = #tpu.pipeline_mode<synchronous>, transform_indices = @transform_3, window_bounds = array<i64: 128, 128>}, {pipeline_mode = #tpu.pipeline_mode<synchronous>, transform_indices = @transform_4, window_bounds = array<i64: 1, 128>}, {pipeline_mode = #tpu.pipeline_mode<synchronous>, transform_indices = @transform_5, window_bounds = array<i64: 128, 128>}, {pipeline_mode = #tpu.pipeline_mode<synchronous>, transform_indices = @transform_6, window_bounds = array<i64: 1, 128>}, {pipeline_mode = #tpu.pipeline_mode<synchronous>, transform_indices = @transform_7, window_bounds = array<i64: 128, 1>}, {pipeline_mode = #tpu.pipeline_mode<synchronous>, transform_indices = @transform_8, window_bounds = array<i64: 1, 1>}, {transform_indices = @transform_9, window_bounds = array<i64: 1000, 1>}]} {
    %get3A = arith.constant 0 : index
    %get3A_0 = arith.constant 0 : index
    %get3A_1 = arith.constant 0 : index
    %get3A_2 = vector.load %arg1[%get3A, %get3A_0, %get3A_1] : memref<2x1000x128xf32, #tpu.memory_space<vmem>>, vector<1x1000x128xf32>
    %get3A_3 = vector.shape_cast %get3A_2 : vector<1x1000x128xf32> to vector<1000x128xf32>
    %get3A_4 = arith.constant 1 : index
    %get3A_5 = arith.constant 0 : index
    %get3A_6 = arith.constant 0 : index
    %get3A_7 = vector.load %arg1[%get3A_4, %get3A_5, %get3A_6] : memref<2x1000x128xf32, #tpu.memory_space<vmem>>, vector<1x1000x128xf32>
    %get3A_8 = vector.shape_cast %get3A_7 : vector<1x1000x128xf32> to vector<1000x128xf32>
    %add3A = arith.addf %get3A_3, %get3A_8 : vector<1000x128xf32>
    %get3A_9 = arith.constant 0 : index
    %get3A_10 = arith.constant 0 : index
    %get3A_11 = vector.load %arg2[%get3A_9, %get3A_10] : memref<128x128xf32, #tpu.memory_space<vmem>>, vector<128x128xf32>
    %dot_general3A = arith.constant dense<0.000000e+00> : vector<1000x128xf32>
    %dot_general3A_12 = tpu.matmul %add3A, %get3A_11, %dot_general3A {dimension_numbers = #tpu.dot_dimension_numbers<[1], [0], [0], [1], [0, 0, 1, 1], [], []>, transpose_lhs_hint = false} : vector<1000x128xf32>, vector<128x128xf32>, vector<1000x128xf32> -> vector<1000x128xf32>
    %get3A_13 = arith.constant 0 : index
    %get3A_14 = arith.constant 0 : index
    %get3A_15 = vector.load %arg3[%get3A_13, %get3A_14] : memref<1x128xf32, #tpu.memory_space<vmem>>, vector<1x128xf32>
    %add3A_16 = vector.broadcast %get3A_15 : vector<1x128xf32> to vector<1000x128xf32>
    %add3A_17 = arith.addf %dot_general3A_12, %add3A_16 : vector<1000x128xf32>
    %logistic3A = arith.negf %add3A_17 : vector<1000x128xf32>
    %logistic3A_18 = math.exp %logistic3A : vector<1000x128xf32>
    %logistic3A_19 = arith.constant 1.000000e+00 : f32
    %logistic3A_20 = vector.broadcast %logistic3A_19 : f32 to vector<1000x128xf32>
    %logistic3A_21 = arith.addf %logistic3A_20, %logistic3A_18 : vector<1000x128xf32>
    %logistic3A_22 = arith.divf %logistic3A_20, %logistic3A_21 : vector<1000x128xf32>
    %mul3A = arith.mulf %add3A_17, %logistic3A_22 : vector<1000x128xf32>
    %get3A_23 = arith.constant 0 : index
    %get3A_24 = arith.constant 0 : index
    %get3A_25 = vector.load %arg4[%get3A_23, %get3A_24] : memref<128x128xf32, #tpu.memory_space<vmem>>, vector<128x128xf32>
    %dot_general3A_26 = arith.constant dense<0.000000e+00> : vector<1000x128xf32>
    %dot_general3A_27 = tpu.matmul %mul3A, %get3A_25, %dot_general3A_26 {dimension_numbers = #tpu.dot_dimension_numbers<[1], [0], [0], [1], [0, 0, 1, 1], [], []>, transpose_lhs_hint = false} : vector<1000x128xf32>, vector<128x128xf32>, vector<1000x128xf32> -> vector<1000x128xf32>
    %get3A_28 = arith.constant 0 : index
    %get3A_29 = arith.constant 0 : index
    %get3A_30 = vector.load %arg5[%get3A_28, %get3A_29] : memref<1x128xf32, #tpu.memory_space<vmem>>, vector<1x128xf32>
    %add3A_31 = vector.broadcast %get3A_30 : vector<1x128xf32> to vector<1000x128xf32>
    %add3A_32 = arith.addf %dot_general3A_27, %add3A_31 : vector<1000x128xf32>
    %logistic3A_33 = arith.negf %add3A_32 : vector<1000x128xf32>
    %logistic3A_34 = math.exp %logistic3A_33 : vector<1000x128xf32>
    %logistic3A_35 = arith.constant 1.000000e+00 : f32
    %logistic3A_36 = vector.broadcast %logistic3A_35 : f32 to vector<1000x128xf32>
    %logistic3A_37 = arith.addf %logistic3A_36, %logistic3A_34 : vector<1000x128xf32>
    %logistic3A_38 = arith.divf %logistic3A_36, %logistic3A_37 : vector<1000x128xf32>
    %mul3A_39 = arith.mulf %add3A_32, %logistic3A_38 : vector<1000x128xf32>
    %get3A_40 = arith.constant 0 : index
    %get3A_41 = arith.constant 0 : index
    %get3A_42 = vector.load %arg6[%get3A_40, %get3A_41] : memref<128x128xf32, #tpu.memory_space<vmem>>, vector<128x128xf32>
    %dot_general3A_43 = arith.constant dense<0.000000e+00> : vector<1000x128xf32>
    %dot_general3A_44 = tpu.matmul %mul3A_39, %get3A_42, %dot_general3A_43 {dimension_numbers = #tpu.dot_dimension_numbers<[1], [0], [0], [1], [0, 0, 1, 1], [], []>, transpose_lhs_hint = false} : vector<1000x128xf32>, vector<128x128xf32>, vector<1000x128xf32> -> vector<1000x128xf32>
    %get3A_45 = arith.constant 0 : index
    %get3A_46 = arith.constant 0 : index
    %get3A_47 = vector.load %arg7[%get3A_45, %get3A_46] : memref<1x128xf32, #tpu.memory_space<vmem>>, vector<1x128xf32>
    %add3A_48 = vector.broadcast %get3A_47 : vector<1x128xf32> to vector<1000x128xf32>
    %add3A_49 = arith.addf %dot_general3A_44, %add3A_48 : vector<1000x128xf32>
    %logistic3A_50 = arith.negf %add3A_49 : vector<1000x128xf32>
    %logistic3A_51 = math.exp %logistic3A_50 : vector<1000x128xf32>
    %logistic3A_52 = arith.constant 1.000000e+00 : f32
    %logistic3A_53 = vector.broadcast %logistic3A_52 : f32 to vector<1000x128xf32>
    %logistic3A_54 = arith.addf %logistic3A_53, %logistic3A_51 : vector<1000x128xf32>
    %logistic3A_55 = arith.divf %logistic3A_53, %logistic3A_54 : vector<1000x128xf32>
    %mul3A_56 = arith.mulf %add3A_49, %logistic3A_55 : vector<1000x128xf32>
    %get3A_57 = arith.constant 0 : index
    %get3A_58 = arith.constant 0 : index
    %get3A_59 = vector.load %arg8[%get3A_57, %get3A_58] : memref<128x1xf32, #tpu.memory_space<vmem>>, vector<128x1xf32>
    %dot_general3A_60 = arith.constant dense<0.000000e+00> : vector<1000x1xf32>
    %dot_general3A_61 = tpu.matmul %mul3A_56, %get3A_59, %dot_general3A_60 {dimension_numbers = #tpu.dot_dimension_numbers<[1], [0], [0], [1], [0, 0, 1, 1], [], []>, transpose_lhs_hint = false} : vector<1000x128xf32>, vector<128x1xf32>, vector<1000x1xf32> -> vector<1000x1xf32>
    %get3A_62 = arith.constant 0 : index
    %get3A_63 = arith.constant 0 : index
    %get3A_64 = vector.load %arg9[%get3A_62, %get3A_63] : memref<1x1xf32, #tpu.memory_space<vmem>>, vector<1x1xf32>
    %add3A_65 = vector.broadcast %get3A_64 : vector<1x1xf32> to vector<1000x1xf32>
    %add3A_66 = arith.addf %dot_general3A_61, %add3A_65 : vector<1000x1xf32>
    %swap3A = arith.constant 0 : index
    %swap3A_67 = arith.constant 0 : index
    %swap3A_68 = vector.load %arg10[%swap3A, %swap3A_67] : memref<1000x1xf32, #tpu.memory_space<vmem>>, vector<1000x1xf32>
    tpu.vector_store %arg10[%swap3A, %swap3A_67], %add3A_66 {strides = array<i32>} : memref<1000x1xf32, #tpu.memory_space<vmem>>, vector<1000x1xf32>,
    return
  }
  func.func @transform_0(%arg0: i32) -> (i32, i32, i32) {
    %c0_i32 = arith.constant 0 : i32
    %c0_i32_0 = arith.constant 0 : i32
    %c0_i32_1 = arith.constant 0 : i32
    return %c0_i32, %arg0, %c0_i32_0 : i32, i32, i32
  }
  func.func @transform_1(%arg0: i32) -> (i32, i32) {
    %c0_i32 = arith.constant 0 : i32
    %c0_i32_0 = arith.constant 0 : i32
    %c0_i32_1 = arith.constant 0 : i32
    return %c0_i32, %c0_i32_0 : i32, i32
  }
  func.func @transform_2(%arg0: i32) -> (i32, i32) {
    %c0_i32 = arith.constant 0 : i32
    %c0_i32_0 = arith.constant 0 : i32
    %c0_i32_1 = arith.constant 0 : i32
    return %c0_i32, %c0_i32_0 : i32, i32
  }
  func.func @transform_3(%arg0: i32) -> (i32, i32) {
    %c0_i32 = arith.constant 0 : i32
    %c0_i32_0 = arith.constant 0 : i32
    %c0_i32_1 = arith.constant 0 : i32
    return %c0_i32, %c0_i32_0 : i32, i32
  }
  func.func @transform_4(%arg0: i32) -> (i32, i32) {
    %c0_i32 = arith.constant 0 : i32
    %c0_i32_0 = arith.constant 0 : i32
    %c0_i32_1 = arith.constant 0 : i32
    return %c0_i32, %c0_i32_0 : i32, i32
  }
  func.func @transform_5(%arg0: i32) -> (i32, i32) {
    %c0_i32 = arith.constant 0 : i32
    %c0_i32_0 = arith.constant 0 : i32
    %c0_i32_1 = arith.constant 0 : i32
    return %c0_i32, %c0_i32_0 : i32, i32
  }
  func.func @transform_6(%arg0: i32) -> (i32, i32) {
    %c0_i32 = arith.constant 0 : i32
    %c0_i32_0 = arith.constant 0 : i32
    %c0_i32_1 = arith.constant 0 : i32
    return %c0_i32, %c0_i32_0 : i32, i32
  }
  func.func @transform_7(%arg0: i32) -> (i32, i32) {
    %c0_i32 = arith.constant 0 : i32
    %c0_i32_0 = arith.constant 0 : i32
    %c0_i32_1 = arith.constant 0 : i32
    return %c0_i32, %c0_i32_0 : i32, i32
  }
  func.func @transform_8(%arg0: i32) -> (i32, i32) {
    %c0_i32 = arith.constant 0 : i32
    %c0_i32_0 = arith.constant 0 : i32
    %c0_i32_1 = arith.constant 0 : i32
    return %c0_i32, %c0_i32_0 : i32, i32
  }
  func.func @transform_9(%arg0: i32) -> (i32, i32) {
    %c0_i32 = arith.constant 0 : i32
    %c0_i32_0 = arith.constant 0 : i32
    return %arg0, %c0_i32 : i32, i32
  }
}

</mosaic_0001>

<sc_bundles>
// kernel: kernel.5.cloned.1.call-start
scs
__scs_entry_jumppad:
0x0: {  	(pc) =	sbr.rel $0x88, $3  }
0x1: {  	(tag) =	ssettag $0x0;
	lr =	simm.s32 $0x1  }
0x2: {  	[smem:$0x3F92] =	sst lr;
	_ =	strace $0xD0000000  }
0x3: {  	_ = 	snop  }
0x4: {  	_ = 	snop  }
0x5: {  	_ = 	snop  }
0x6: {  	_ = 	snop  }
0x7: {  	_ = 	snop  }
__scs_overlays_trampoline_lowered:
0x8: {  	[smem:$0x3FA1] =	sst s0  }
0x9: {  	[smem:$0x3FA2] =	sst s1  }
0xa: {  	[smem:$0x3FA3] =	sst s2  }
0xb: {  	[smem:$0x3FA4] =	sst s3  }
0xc: {  	[smem:$0x3FA5] =	sst s4  }
0xd: {  	[smem:$0x3FA6] =	sst s5  }
0xe: {  	[smem:$0x3FA7] =	sst s6  }
0xf: {  	[smem:$0x3FA8] =	sst s7  }
0x10: {  	[smem:$0x3FA9] =	sst s8  }
0x11: {  	[smem:$0x3FAA] =	sst s9;
	s0 =	simm.s32 @!p0 $0x0  }
0x12: {  	s1 =	sld [smem:$0x3F90];
	s0 =	simm.s32 @p0 $0x1  }
0x13: {  	[smem:$0x3FAB] =	sst s0;
	s0 =	simm.s32 @!p1 $0x0  }
0x14: {  	s2 =	sld [smem:$0x3F8F];
	s0 =	simm.s32 @p1 $0x1  }
0x15: {  	[smem:$0x3FAC] =	sst s0;
	s0 =	simm.s32 @!p2 $0x0  }
0x16: {  	s3 =	sld [smem:$0x3FDB];
	s0 =	simm.s32 @p2 $0x1  }
0x17: {  	s4 =	simm.s32 $0x1BF5;
	[smem:$0x3FAE] =	sst s0  }
0x18: {  	s0 =	sld [smem:$0x3F91];
	_ =	swait.ge [sflag:s4], $0x0  }
0x19: {  	s7 =	sld [smem:$0x3F92]  }
0x1a: {  	s8 =	sadd.s32 $0xFFFFE003, lr  }
0x1b: {  	s9 =	sadd.s32 $0xFFFFFEF7, lr;
	s5 =	simm.s32 $0xFFFFFFFF;
	p2 =	slt.u32 s8, $0xFFFFF086  }
0x1c: {  	p1 =	slt.u32 s9, $0xF7A;
	s5 =	simm.s32 @!p2 $0x0  }
0x1d: {  	s5 =	simm.s32 @p1 $0x1;
	p0 =	seq.s32 s7, s2  }
0x1e: {  	s7 =	smul.u32 @!p0 $0xF7A, s2;
	p2 =	seq.s32 @!p0 s5, $0x0  }
0x1f: {  	s9 =	smul.u32 $0xF7A, s1;
	s8 =	simm.s32 @!p0 $0x1BF5;
	p2 =	por !p2, p0  }
0x20: {  	[sflag:s8] =	ssyncset.s32 @!p0 $0xFFFFF086;
	s6 =	sadd.s32 @!p0 s3, s7;
	s7 =	simm.s32 @!p0 $0x108  }
0x21: {  	s3 =	sadd.s32 s3, s9;
	s6 =	sadd.s32 @!p0 $0x88, s6;
	s7 =	simm.s32 @p2 $0x1082  }
0x22: {  	[simem:s7], [sflag:s8] =	dma.local @!p0 [hbm:s6], $0xF7A  }
0x23: {  	s9 =	sor.u32 $0xD0000000, s2;
	s6 =	simm.s32 $0x108;
	_ =	swait.ge @!p0 [sflag:s8], $0x0  }
0x24: {  	s3 =	sadd.s32 $0x88, s3;
	s6 =	simm.s32 @!p1 $0x1082;
	[sflag:s4] =	ssyncset.s32 $0xFFFFF086  }
0x25: {  	[simem:s6], [sflag:s4] =	dma.local [hbm:s3], $0xF7A  }
0x26: {  	[smem:$0x3F92] =	sst s1;
	(tag) =	ssettag s2;
	_ =	strace s9  }
0x27: {  	s1 =	sld [smem:$0x3FA2]  }
0x28: {  	s2 =	sld [smem:$0x3FA3]  }
0x29: {  	s4 =	sld [smem:$0x3FA5]  }
0x2a: {  	p0 =	seq.s32 s5, $0x0;
	s5 =	sld [smem:$0x3FA6]  }
0x2b: {  	s6 =	sld [smem:$0x3FA7]  }
0x2c: {  	s7 =	sld [smem:$0x3FA8]  }
0x2d: {  	s3 =	simm.s32 $0x108;
	s8 =	sld [smem:$0x3FA9]  }
0x2e: {  	s3 =	simm.s32 @!p0 $0x1082;
	s9 =	sld [smem:$0x3FAA]  }
0x2f: {  	lr =	sadd.s32 s0, s3;
	s0 =	sld [smem:$0x3FA1]  }
0x30: {  	s3 =	sld [smem:$0x3FA4]  }
0x31: {  	[smem:$0x3FAD] =	sst s10  }
0x32: {  	s10 =	sld [smem:$0x3FAB];
	_ =	sdelay $0x3  }
0x33: {  	p0 =	seq.s32 s10, $0x1;
	s10 =	sld [smem:$0x3FAD];
	_ =	sdelay $0x3  }
0x34: {  	[smem:$0x3FAD] =	sst s10  }
0x35: {  	s10 =	sld [smem:$0x3FAC];
	_ =	sdelay $0x3  }
0x36: {  	p1 =	seq.s32 s10, $0x1;
	s10 =	sld [smem:$0x3FAD];
	_ =	sdelay $0x3  }
0x37: {  	[smem:$0x3FAD] =	sst s10  }
0x38: {  	s10 =	sld [smem:$0x3FAE]  }
0x39: {  	_ = 	snop;
	(pc) =	sbr.ind lr, $3  }
0x3a: {  	_ = 	snop  }
0x3b: {  	_ = 	snop  }
0x3c: {  	p2 =	seq.s32 s10, $0x1;
	s10 =	sld [smem:$0x3FAD]  }
0x3d: {  	_ =	shalt  }
0x3e: {  	_ =	shalt  }
0x3f: {  	_ =	shalt  }
0x40: {  	_ =	shalt  }
0x41: {  	_ =	shalt  }
0x42: {  	_ =	shalt  }
0x43: {  	_ =	shalt  }
0x44: {  	_ =	shalt  }
0x45: {  	_ =	shalt  }
0x46: {  	_ =	shalt  }
0x47: {  	_ =	shalt  }
0x48: {  	_ =	shalt  }
0x49: {  	_ =	shalt  }
0x4a: {  	_ =	shalt  }
0x4b: {  	_ =	shalt  }
0x4c: {  	_ =	shalt  }
0x4d: {  	_ =	shalt  }
0x4e: {  	_ =	shalt  }
0x4f: {  	_ =	shalt  }
0x50: {  	_ =	shalt  }
0x51: {  	_ =	shalt  }
0x52: {  	_ =	shalt  }
0x53: {  	_ =	shalt  }
0x54: {  	_ =	shalt  }
0x55: {  	_ =	shalt  }
0x56: {  	_ =	shalt  }
0x57: {  	_ =	shalt  }
0x58: {  	_ =	shalt  }
0x59: {  	_ =	shalt  }
0x5a: {  	_ =	shalt  }
0x5b: {  	_ =	shalt  }
0x5c: {  	_ =	shalt  }
0x5d: {  	_ =	shalt  }
0x5e: {  	_ =	shalt  }
0x5f: {  	_ =	shalt  }
0x60: {  	_ =	shalt  }
0x61: {  	_ =	shalt  }
0x62: {  	_ =	shalt  }
0x63: {  	_ =	shalt  }
0x64: {  	_ =	shalt  }
0x65: {  	_ =	shalt  }
0x66: {  	_ =	shalt  }
0x67: {  	_ =	shalt  }
0x68: {  	_ =	shalt  }
0x69: {  	_ =	shalt  }
0x6a: {  	_ =	shalt  }
0x6b: {  	_ =	shalt  }
0x6c: {  	_ =	shalt  }
0x6d: {  	_ =	shalt  }
0x6e: {  	_ =	shalt  }
0x6f: {  	_ =	shalt  }
0x70: {  	_ =	shalt  }
0x71: {  	_ =	shalt  }
0x72: {  	_ =	shalt  }
0x73: {  	_ =	shalt  }
0x74: {  	_ =	shalt  }
0x75: {  	_ =	shalt  }
0x76: {  	_ =	shalt  }
0x77: {  	_ =	shalt  }
0x78: {  	_ =	shalt  }
0x79: {  	_ =	shalt  }
0x7a: {  	_ =	shalt  }
0x7b: {  	_ =	shalt  }
0x7c: {  	_ =	shalt  }
0x7d: {  	_ =	shalt  }
0x7e: {  	_ =	shalt  }
0x7f: {  	_ =	shalt  }
0x80: {  	_ =	shalt  }
0x81: {  	_ =	shalt  }
0x82: {  	_ =	shalt  }
0x83: {  	_ =	shalt  }
0x84: {  	_ =	shalt  }
0x85: {  	_ =	shalt  }
0x86: {  	_ =	shalt  }
0x87: {  	_ =	shalt  }
.Lfunc_end0:
.L_simem_size_0:
called_computation_lowered:
.L_overlay_start_0:
0x88: {  	s2 =	sld [smem:$0x3FD9]  }
0x89: {  	s3 =	sld [smem:$0x3FFE];
	_ =	sdelay $0x1  }
0x8a: {  	s1 =	srdreg.scid  }
0x8b: {  	s0 =	sand.u32 $0x1, s1  }
0x8c: {  	s17 =	sshll.u32 s0, $0xA;
	s2 =	sadd.s32 s3, s2  }
0x8d: {  	s2 =	sadd.s32 s2, s17  }
0x8e: {  	[smem:$0x3FB9] =	sst s2  }
0x8f: {  	_ = 	snop  }
0x90: {  	s2 =	sld [smem:$0x3FC9];
	(tm) =	ssettm $0x1  }
0x91: {  	s18 =	sld [smem:$0x3FFB];
	_ =	sdelay $0x3  }
0x92: {  	_ =	strace s18  }
0x93: {  	s3 =	sld [smem:$0x3FFC];
	_ =	sdelay $0x3  }
0x94: {  	_ =	strace s3  }
0x95: {  	s3 =	sld [smem:$0x3FFD];
	_ =	sdelay $0x3  }
0x96: {  	_ =	strace s3  }
0x97: {  	_ =	strace $0x8FFFFFFF  }
0x98: {  	s19 =	sld [smem:$0x3FDB];
	_ =	sdelay $0x1  }
0x99: {  	s4 =	simm.s32 $_scs_section_size  }
0x9a: {  	s5 =	simm.s32 $_size__tile_overlayer_lowered;
	s6 =	simm.s32 $_tile_overlayer_lowered  }
0x9b: {  	s22 =	simm.s32 $0x1BFF;
	s21 =	sshll.u32 s6, $0x1;
	s3 =	sadd.s32 s4, s19  }
0x9c: {  	s7 =	simm.s32 $0x0;
	s20 =	sshll.u32 s5, $0x1;
	s5 =	sadd.s32 s21, s3  }
0x9d: {  	[timem:s7], [sflag:s22] =	dma.local [hbm:s5], s20  }
0x9e: {  	_ =	swait.ge [sflag:s22], s20  }
0x9f: {  	s4 =	ssub.s32 $0x0, s20;
	[sflag:s22] =	ssyncset.done $0x0  }
0xa0: {  	[sflag:s22] =	ssyncadd.s32 s4;
	_ =	sdelay $0x1  }
0xa1: {  	s23 =	simm.s32 $0x1B8B  }
0xa2: {  	_ =	swait.ge [sflag:s23], $0x1  }
0xa3: {  	[sflag:s23] =	ssyncset.done $0x0  }
0xa4: {  	s25 =	simm.s32 $0x1B8E;
	s24 =	sld [smem:$0x3FFE];
	[sflag:s23] =	ssyncadd.s32 $0xFFFFFFFF  }
0xa5: {  	s26 =	simm.s32 $execute0_lowered;
	[smem:$0x3FD2] =	sst s25  }
0xa6: {  	s5 =	sshll.u32 s26, $0x1;
	_ =	strace $0x80000046;
	[dreg:$0x1] =	wrdreg $0xFFFFFFFF  }
0xa7: {  	s28 =	simm.s32 $_size_execute0_lowered;
	s3 =	sadd.s32 s3, s5;
	[dreg:$0x0] =	wrdreg $0x0  }
0xa8: {  	s5 =	sshll.u32 s28, $0x1;
	[dreg:$0x2] =	wrdreg s3  }
0xa9: {  	[dreg:$0x3] =	wrdreg s5  }
0xaa: {  	[dreg:$0x4] =	wrdreg $0xC0  }
0xab: {  	_ =	task [dreg:s7], $0x5FFFF  }
0xac: {  	[dreg:$0x1] =	wrdreg $0xFFFFFFFF  }
0xad: {  	[dreg:$0x0] =	wrdreg $0x60  }
0xae: {  	[dreg:$0x2] =	wrdreg s2  }
0xaf: {  	[dreg:$0x3] =	wrdreg s24  }
0xb0: {  	[dreg:$0x4] =	wrdreg $0xA2000  }
0xb1: {  	[dreg:$0x5] =	wrdreg $0x9  }
0xb2: {  	_ =	task.clear_ibuf [dreg:s7], $0x6FFFF;
	_ =	strace $0x90000046  }
0xb3: {  	s29 =	simm.s32 $0x9;
	_ =	strace $0x80000048  }
0xb4: {  	_ =	swait.ge [sflag:s29], $0x1  }
0xb5: {  	[sflag:s29] =	ssyncadd.s32 $0xFFFFFFFF  }
0xb6: {  	_ =	strace $0x90000048  }
0xb7: {  	_ =	sfence  }
0xb8: {  	s30 =	sld [smem:$0x0];
	_ =	sdelay $0x2  }
0xb9: {  	s31 =	sshll.u32 s1, $0xD;
	s1 =	sshrl.u32 s1, $0x2  }
0xba: {  	s3 =	sand.u32 $0x4000, s31;
	s1 =	sadd.s32 s1, s30  }
0xbb: {  	s0 =	sor.u32 s3, s0;
	s1 =	sshll.u32 s1, $0x11  }
0xbc: {  	s0 =	sor.u32 s1, s0  }
0xbd: {  	s0 =	sadd.s32 $0x8F2B, s0  }
0xbe: {  	[sflag:s0] =	ssyncadd.remote.s32 $0x1  }
0xbf: {  	_ =	sfence.sel $0xFFFF  }
0xc0: {  	[dreg:$0x0] =	wrdreg $0xFFFFFFFF;
	(pc) =	sbr.abs _section_cstart, $3  }
0xc1: {  	[dreg:$0x1] =	wrdreg $0xFFFFFFFF  }
0xc2: {  	_ =	task.clear_ibuf [dreg:s7], $0x2FFFF;
	_ =	strace $0x9FFFFFFF  }
0xc3: {  	(tm) =	ssettm $0x7FFFFFFF  }
tec
execute0_lowered:
.L_overlay_start_1:
0x0: {  	(tag) =	ssettag $0x1  }
0x1: {  	s1 =	rddreg [dreg:$0x0]  }
0x2: {  	s0 =	rddreg [dreg:$0x1]  }
0x3: {  	s2 =	rddreg [dreg:$0x2]  }
0x4: {  	s3 =	srdreg.scid;
	s4 =	simm.s32 $0x0;
	s21 =	stileid.u32  }
0x5: {  	s28 =	simm.s32 $0x1;
	s29 =	simm.s32 $0x3;
	s31 =	simm.s32 $0x2  }
0x6: {  	s3 =	sand.u32 $0x1, s3;
	[smem:$0x7FF] =	sst s4;
	s7 =	smul.u32 $0x13800, s21  }
0x7: {  	s8 =	sadd.s32 $0x503000, s0;
	s9 =	smul.u32 $0x4E000, s21;
	p0 =	sne.s32 s21, $0xF  }
0x8: {  	s30 =	sadd.s32 $0x138000, s2;
	s5 =	ssub.s32 $0x2, s3;
	_ =	strace $0x80000047  }
0x9: {  	s6 =	sshrl.u32 s5, $0x1;
	s10 =	sadd.s32 $0x2800, s7;
	s11 =	sadd.s32 $0x5000, s7  }
0xa: {  	s12 =	sadd.s32 $0x7800, s7;
	s15 =	sadd.s32 $0xA000, s7;
	s17 =	sadd.s32 $0xC800, s7  }
0xb: {  	s5 =	ssub.s32 s5, s6;
	s6 =	sshll.u32 s3, $0x4;
	s3 =	smul.u32 $0x138800, s3  }
0xc: {  	s18 =	sadd.s32 $0xF000, s7;
	s20 =	sadd.s32 $0x11800, s7;
	s6 =	sor.u32 s21, s6  }
0xd: {  	s7 =	sadd.s32 s7, s3;
	s13 =	sadd.s32 s3, s10;
	s14 =	sadd.s32 s3, s11  }
0xe: {  	s16 =	sadd.s32 s3, s15;
	s19 =	sadd.s32 s3, s17;
	s24 =	sadd.s32 s3, s18  }
0xf: {  	s25 =	sadd.s32 s3, s20;
	s10 =	sadd.s32 s10, s2;
	s11 =	sadd.s32 s11, s2  }
0x10: {  	s15 =	sadd.s32 s15, s2;
	s7 =	sshrl.u32 s7, $0x3;
	[dreg:$0xd] =	wrdreg s10  }
0x11: {  	s13 =	sshrl.u32 s13, $0x3;
	s23 =	sshrl.u32 s19, $0x3;
	[dreg:$0xe] =	wrdreg s11  }
0x12: {  	s19 =	smul.u32 $0x138800, s6;
	[dreg:$0x10] =	wrdreg s15;
	s10 =	simm.s32 $0x100  }
0x13: {  	s11 =	simm.s32 $0x2A00;
	s7 =	sadd.s32 s8, s7;
	s26 =	sadd.s32 s8, s13  }
0x14: {  	s13 =	sshrl.u32 s14, $0x3;
	s14 =	sadd.s32 s3, s12;
	[dreg:$0x4] =	wrdreg s7  }
0x15: {  	s3 =	sshrl.u32 s3, $0x3;
	s12 =	sadd.s32 s12, s2;
	[dreg:$0x5] =	wrdreg s26  }
0x16: {  	s7 =	sadd.s32 s8, s13;
	s13 =	sshrl.u32 s16, $0x3;
	s3 =	sadd.s32 s8, s3  }
0x17: {  	s16 =	smul.u32 $0x3E80, s6;
	[dreg:$0xf] =	wrdreg s12;
	s6 =	sshrl.u32 s19, $0x3  }
0x18: {  	s12 =	simm.s32 $0x7A00;
	[dreg:$0x6] =	wrdreg s7;
	s7 =	sshrl.u32 s14, $0x3  }
0x19: {  	s22 =	sadd.s32 s8, s13;
	s13 =	sshrl.u32 s25, $0x3;
	s14 =	sadd.s32 $0x1C00, s0  }
0x1a: {  	s3 =	sadd.s32 $0x27000, s3;
	s25 =	smax.u32 s5, $0x1;
	[dreg:$0x8] =	wrdreg s22  }
0x1b: {  	s5 =	simm.s32 $0x5;
	s7 =	sadd.s32 s8, s7;
	[dreg:$0x13] =	wrdreg s3  }
0x1c: {  	s26 =	sadd.s32 s8, s13;
	s13 =	sadd.s32 $0x21000, s0;
	[dreg:$0x14] =	wrdreg s25  }
0x1d: {  	s22 =	sadd.s32 s17, s2;
	s3 =	simm.s32 $0x200;
	[dreg:$0x7] =	wrdreg s7  }
0x1e: {  	s25 =	simm.s32 $0x180;
	s7 =	sadd.s32 s8, s23;
	[dreg:$0xb] =	wrdreg s26  }
0x1f: {  	s23 =	sadd.s32 s18, s2;
	s18 =	sshrl.u32 s16, $0x3;
	s6 =	sadd.s32 s13, s6  }
0x20: {  	[dreg:$0x9] =	wrdreg s7;
	s7 =	sshrl.u32 s24, $0x3;
	s24 =	sadd.s32 s20, s2  }
0x21: {  	s0 =	sadd.s32 s14, s18;
	[dreg:$0x12] =	wrdreg s6;
	s26 =	sadd.s32 $0x500, s6  }
0x22: {  	s6 =	simm.s32 $0x80;
	s7 =	sadd.s32 s8, s7;
	[dreg:$0x11] =	wrdreg s0  }
0x23: {  	s8 =	sshrl.u32 s9, $0x2;
	s0 =	sadd.s32 $0x10, s0;
	[dreg:$0x16] =	wrdreg s26  }
0x24: {  	s26 =	simm.s32 $0x0;
	[dreg:$0xa] =	wrdreg s7;
	s9 =	sadd.s32 s8, s2  }
0x25: {  	[dreg:$0x15] =	wrdreg s0;
	s7 =	simm.s32 $0x7D000;
	s8 =	simm.s32 $0x50  }
0x26: {  	v0 =	vimm.f32 $0.0e+00;
	s0 =	simm.s32 $0x4;
	[dreg:$0xc] =	wrdreg s9;
	s9 =	simm.s32 $0x5200  }
.LBB2_1:
0x27: {  	s15 =	simm.s32 $0x0;
	s17 =	simm.s32 $0x200  }
.LBB2_2:
0x28: {  	p1 =	sne.s32 s17, $0x9E00;
	[tilespmem:s15+$0x270] =	vst v0  }
0x29: {  	[tilespmem:s15+$0x200] =	vst v0  }
0x2a: {  	[tilespmem:s15+$0x210] =	vst v0  }
.Ltmp0:
0x2b: {  	[tilespmem:s15+$0x220] =	vst v0;
	(pc) =	sbr.rel @p1 .LBB2_2-.Ltmp0, $4  }
0x2c: {  	[tilespmem:s15+$0x230] =	vst v0  }
0x2d: {  	[tilespmem:s15+$0x240] =	vst v0  }
0x2e: {  	[tilespmem:s15+$0x250] =	vst v0  }
0x2f: {  	[tilespmem:s15+$0x260] =	vst v0;
	s15 =	sshra.s32 s17, $0x2;
	s17 =	sadd.s32 $0x200, s17  }
0x30: {  	[tilespmem:s15+$0x270] =	vst v0  }
0x31: {  	[tilespmem:s15+$0x200] =	vst v0  }
0x32: {  	[tilespmem:s15+$0x210] =	vst v0  }
0x33: {  	[tilespmem:s15+$0x220] =	vst v0  }
0x34: {  	[tilespmem:s15+$0x230] =	vst v0  }
0x35: {  	[tilespmem:s15+$0x240] =	vst v0  }
0x36: {  	[tilespmem:s15+$0x250] =	vst v0  }
0x37: {  	[tilespmem:s15+$0x260] =	vst v0;
	s17 =	rddreg [dreg:$0xc]  }
0x38: {  	[spmem:s17] =	stream.linear.scatter [tilespmem:s3], [sflag:$0x5], $0x2800, $0x38;
	[tilespmem:$0x1DA80] =	vst v63  }
0x39: {  	_ =	swait.ge [sflag:s5], $0x2800  }
0x3a: {  	[sflag:s5] =	ssyncset.done $0x0  }
0x3b: {  	s18 =	rddreg [dreg:$0xd];
	[sflag:s5] =	ssyncadd.s32 $0xFFFFD800  }
0x3c: {  	[spmem:s18] =	stream.linear.scatter [tilespmem:s3], [sflag:$0x5], $0x2800, $0x38;
	[tilespmem:$0x1DA80] =	vst v63  }
0x3d: {  	_ =	swait.ge [sflag:s5], $0x2800  }
0x3e: {  	[sflag:s5] =	ssyncset.done $0x0  }
0x3f: {  	s20 =	rddreg [dreg:$0xe];
	[sflag:s5] =	ssyncadd.s32 $0xFFFFD800  }
0x40: {  	[spmem:s20] =	stream.linear.scatter [tilespmem:s3], [sflag:$0x5], $0x2800, $0x38;
	[tilespmem:$0x1DA80] =	vst v63  }
0x41: {  	_ =	swait.ge [sflag:s5], $0x2800  }
0x42: {  	[sflag:s5] =	ssyncset.done $0x0  }
0x43: {  	s21 =	rddreg [dreg:$0xf];
	[sflag:s5] =	ssyncadd.s32 $0xFFFFD800  }
0x44: {  	[spmem:s21] =	stream.linear.scatter [tilespmem:s3], [sflag:$0x5], $0x2800, $0x38;
	[tilespmem:$0x1DA80] =	vst v63  }
0x45: {  	_ =	swait.ge [sflag:s5], $0x2800  }
0x46: {  	[sflag:s5] =	ssyncset.done $0x0  }
0x47: {  	s17 =	rddreg [dreg:$0x10];
	[sflag:s5] =	ssyncadd.s32 $0xFFFFD800  }
0x48: {  	[spmem:s17] =	stream.linear.scatter [tilespmem:s3], [sflag:$0x5], $0x2800, $0x38;
	[tilespmem:$0x1DA80] =	vst v63  }
0x49: {  	_ =	swait.ge [sflag:s5], $0x2800  }
0x4a: {  	[sflag:s5] =	ssyncset.done $0x0  }
0x4b: {  	[sflag:s5] =	ssyncadd.s32 $0xFFFFD800  }
0x4c: {  	[spmem:s22] =	stream.linear.scatter [tilespmem:s3], [sflag:$0x5], $0x2800, $0x38;
	[tilespmem:$0x1DA80] =	vst v63  }
0x4d: {  	_ =	swait.ge [sflag:s5], $0x2800  }
0x4e: {  	[sflag:s5] =	ssyncset.done $0x0  }
0x4f: {  	[sflag:s5] =	ssyncadd.s32 $0xFFFFD800  }
0x50: {  	[spmem:s23] =	stream.linear.scatter [tilespmem:s3], [sflag:$0x5], $0x2800, $0x38;
	[tilespmem:$0x1DA80] =	vst v63  }
0x51: {  	_ =	swait.ge [sflag:s5], $0x2800  }
0x52: {  	[sflag:s5] =	ssyncset.done $0x0  }
0x53: {  	[sflag:s5] =	ssyncadd.s32 $0xFFFFD800  }
0x54: {  	[spmem:s24] =	stream.linear.scatter [tilespmem:s3], [sflag:$0x5], $0x2000, $0x38;
	[tilespmem:$0x1DA80] =	vst v63  }
0x55: {  	_ =	swait.ge [sflag:s5], $0x2000  }
0x56: {  	[sflag:s5] =	ssyncset.done $0x0  }
0x57: {  	s15 =	simm.s32 @!p0 $0x200;
	[sflag:s5] =	ssyncadd.s32 $0xFFFFE000  }
0x58: {  	[spmem:s30] =	stream.linear.scatter @!p0 [tilespmem:s15], [sflag:$0x5], $0x800, $0x38;
	[tilespmem:$0x1DA80] =	vst v63  }
0x59: {  	s15 =	simm.s32 @!p0 $0x5  }
0x5a: {  	_ =	swait.ge @!p0 [sflag:s15], $0x800  }
0x5b: {  	[sflag:s15] =	ssyncset.done @!p0 $0x0  }
0x5c: {  	s17 =	rddreg [dreg:$0x11];
	[sflag:s15] =	ssyncadd.s32 @!p0 $0xFFFFF800;
	s15 =	simm.s32 $0x0  }
0x5d: {  	[tilespmem:s15], [sflag:$0x5] =	stream.strided.gather [hbm4b:s17+s6], $0x100, s7, s6, $0x38;
	[tilespmem:$0x1DA80] =	vst v63  }
0x5e: {  	_ =	swait.ge [sflag:s5], $0x100  }
0x5f: {  	[sflag:s5] =	ssyncset.done $0x0  }
0x60: {  	[sflag:s5] =	ssyncadd.s32 $0xFFFFFF00  }
0x61: {  	[tilespmem:s3], [sflag:$0x1] =	stream.indirect.gather [hbm4b:s1+s8], $0x80, s15, s8, $0xb8;
	[tilespmem:$0x1DA80] =	vst v63  }
0x62: {  	s18 =	rddreg [dreg:$0x12]  }
0x63: {  	[tilespmem:s9], [sflag:$0x3] =	stream.linear.gather [hbm4b:s18+s15], $0x2800, $0x38;
	[tilespmem:$0x1DA80] =	vst v63  }
0x64: {  	s20 =	rddreg [dreg:$0x15]  }
0x65: {  	[tilespmem:s10], [sflag:$0x5] =	stream.strided.gather [hbm4b:s20+s6], $0x100, s7, s6, $0x38;
	[tilespmem:$0x1DA80] =	vst v63  }
0x66: {  	_ =	swait.ge [sflag:s5], $0x100  }
0x67: {  	[sflag:s5] =	ssyncset.done $0x0  }
0x68: {  	[sflag:s5] =	ssyncadd.s32 $0xFFFFFF00  }
0x69: {  	[tilespmem:s11], [sflag:$0x2] =	stream.indirect.gather [hbm4b:s1+s8], $0x80, s10, s8, $0xb8;
	[tilespmem:$0x1DA80] =	vst v63  }
0x6a: {  	s21 =	rddreg [dreg:$0x16]  }
0x6b: {  	[tilespmem:s12], [sflag:$0x4] =	stream.linear.gather [hbm4b:s21+s15], $0x2800, $0x38;
	[tilespmem:$0x1DA80] =	vst v63  }
0x6c: {  	[bflag:$0x0] =	sbarrier.arrive $0xFFFF  }
.LBB2_4:
0x6d: {  	_ =	swait.ge [sflag:s28], $0x2800  }
0x6e: {  	[sflag:s28] =	ssyncset.done $0x0  }
0x6f: {  	[sflag:s28] =	ssyncadd.s32 $0xFFFFD800  }
0x70: {  	_ =	swait.ge [sflag:s29], $0x2800  }
0x71: {  	[sflag:s29] =	ssyncset.done $0x0  }
0x72: {  	s17 =	simm.s32 $0x0;
	[sflag:s29] =	ssyncadd.s32 $0xFFFFD800  }
0x73: {  	v8 =	vld [tilespmem:s17+$0x5200]  }
0x74: {  	v12 =	vld [tilespmem:s17+$0x5210]  }
0x75: {  	v6 =	vld [tilespmem:s17+$0x5220]  }
0x76: {  	v5 =	vld [tilespmem:s17+$0x5230]  }
0x77: {  	v4 =	vld [tilespmem:s17+$0x5240]  }
0x78: {  	v3 =	vld [tilespmem:s17+$0x5250]  }
0x79: {  	v2 =	vld [tilespmem:s17+$0x5260]  }
0x7a: {  	v1 =	vld [tilespmem:s17+$0x5270]  }
0x7b: {  	v13 =	vld [tilespmem:s17+$0x200]  }
0x7c: {  	v14 =	vld [tilespmem:s17+$0x210]  }
0x7d: {  	v11 =	vld [tilespmem:s17+$0x220]  }
0x7e: {  	v10 =	vld [tilespmem:s17+$0x230]  }
0x7f: {  	v9 =	vld [tilespmem:s17+$0x240]  }
0x80: {  	v7 =	vld [tilespmem:s17+$0x250];
	v13 =	vmul.f32 v8, v13  }
0x81: {  	s18 =	simm.s32 $0x200;
	v12 =	vmul.f32 v12, v14;
	v8 =	vld [tilespmem:s17+$0x260]  }
.LBB2_5:
0x82: {  	s20 =	sshra.s32 s18, $0x2;
	p1 =	sne.s32 s18, $0x9E00;
	[tilespmem:s17+$0x200] =	vst v13;
	v6 =	vmul.f32 v6, v11;
	v11 =	vld [tilespmem:s17+$0x270]  }
0x83: {  	v13 =	vld [tilespmem:s20+$0x5200];
	[tilespmem:s17+$0x210] =	vst v12;
	v5 =	vmul.f32 v5, v10  }
0x84: {  	v12 =	vld [tilespmem:s20+$0x5210];
	[tilespmem:s17+$0x220] =	vst v6;
	v4 =	vmul.f32 v4, v9  }
0x85: {  	v6 =	vld [tilespmem:s20+$0x5220];
	[tilespmem:s17+$0x230] =	vst v5;
	v3 =	vmul.f32 v3, v7  }
0x86: {  	v5 =	vld [tilespmem:s20+$0x5230];
	[tilespmem:s17+$0x240] =	vst v4;
	v2 =	vmul.f32 v2, v8  }
0x87: {  	v4 =	vld [tilespmem:s20+$0x5240];
	[tilespmem:s17+$0x250] =	vst v3;
	v1 =	vmul.f32 v1, v11  }
0x88: {  	v3 =	vld [tilespmem:s20+$0x5250];
	[tilespmem:s17+$0x260] =	vst v2  }
0x89: {  	v2 =	vld [tilespmem:s20+$0x5260];
	[tilespmem:s17+$0x270] =	vst v1;
	s17 =	smov.u32 s20  }
0x8a: {  	v1 =	vld [tilespmem:s17+$0x5270]  }
0x8b: {  	v7 =	vld [tilespmem:s17+$0x200]  }
0x8c: {  	v8 =	vld [tilespmem:s17+$0x210]  }
.Ltmp1:
0x8d: {  	v11 =	vld [tilespmem:s17+$0x220];
	(pc) =	sbr.rel @p1 .LBB2_5-.Ltmp1, $4  }
0x8e: {  	v10 =	vld [tilespmem:s17+$0x230]  }
0x8f: {  	v9 =	vld [tilespmem:s17+$0x240]  }
0x90: {  	v13 =	vmul.f32 v13, v7;
	v7 =	vld [tilespmem:s17+$0x250]  }
0x91: {  	s18 =	sadd.s32 $0x200, s18;
	v12 =	vmul.f32 v12, v8;
	v8 =	vld [tilespmem:s17+$0x260]  }
0x92: {  	[tilespmem:s17+$0x200] =	vst v13;
	v6 =	vmul.f32 v6, v11;
	v11 =	vld [tilespmem:s17+$0x270]  }
0x93: {  	[tilespmem:s17+$0x210] =	vst v12;
	v5 =	vmul.f32 v5, v10  }
0x94: {  	[tilespmem:s17+$0x220] =	vst v6;
	v4 =	vmul.f32 v4, v9  }
0x95: {  	[tilespmem:s17+$0x230] =	vst v5;
	v3 =	vmul.f32 v3, v7  }
0x96: {  	[tilespmem:s17+$0x240] =	vst v4;
	v2 =	vmul.f32 v2, v8  }
0x97: {  	[tilespmem:s17+$0x250] =	vst v3;
	v1 =	vmul.f32 v1, v11  }
0x98: {  	[tilespmem:s17+$0x260] =	vst v2  }
0x99: {  	[tilespmem:s17+$0x270] =	vst v1;
	s17 =	sshll.u32 s15, $0x1  }
0x9a: {  	[spmem:s2] =	stream.indirect.scatter.add.f32 [tilespmem:s3], [sflag:$0x5], $0x80, s6, s8, $0xb8;
	[tilespmem:$0x1DA80] =	vst v63  }
0x9b: {  	s18 =	sadd.s32 $0x2, s17  }
0x9c: {  	s20 =	sshll.u32 s18, $0x7  }
0x9d: {  	_ =	swait.ge [sflag:s5], $0x2800;
	s20 =	sadd.s32 s16, s20  }
0x9e: {  	s21 =	simm.s32 $0x0;
	[sflag:s5] =	ssyncset.done $0x0;
	s20 =	sshrl.u32 s20, $0x3  }
0x9f: {  	s18 =	smul.u32 $0x2800, s18;
	[sflag:s5] =	ssyncadd.s32 $0xFFFFD800;
	s20 =	sadd.s32 s14, s20  }
0xa0: {  	[tilespmem:s21], [sflag:$0x5] =	stream.strided.gather [hbm4b:s20+s6], $0x100, s7, s6, $0x38;
	[tilespmem:$0x1DA80] =	vst v63  }
0xa1: {  	_ =	swait.ge [sflag:s5], $0x100  }
0xa2: {  	s18 =	sadd.s32 s19, s18;
	[sflag:s5] =	ssyncset.done $0x0  }
0xa3: {  	s18 =	sshrl.u32 s18, $0x3;
	[sflag:s5] =	ssyncadd.s32 $0xFFFFFF00  }
0xa4: {  	[tilespmem:s3], [sflag:$0x1] =	stream.indirect.gather [hbm4b:s1+s8], $0x80, s21, s8, $0xb8;
	[tilespmem:$0x1DA80] =	vst v63  }
0xa5: {  	s18 =	sadd.s32 s13, s18  }
0xa6: {  	[tilespmem:s9], [sflag:$0x3] =	stream.linear.gather [hbm4b:s18+s21], $0x2800, $0x38;
	[tilespmem:$0x1DA80] =	vst v63  }
0xa7: {  	_ =	swait.ge [sflag:s31], $0x2800  }
0xa8: {  	[sflag:s31] =	ssyncset.done $0x0  }
0xa9: {  	[sflag:s31] =	ssyncadd.s32 $0xFFFFD800  }
0xaa: {  	_ =	swait.ge [sflag:s0], $0x2800  }
0xab: {  	[sflag:s0] =	ssyncset.done $0x0  }
0xac: {  	s18 =	simm.s32 $0x0;
	[sflag:s0] =	ssyncadd.s32 $0xFFFFD800  }
0xad: {  	v8 =	vld [tilespmem:s18+$0x7A00]  }
0xae: {  	v12 =	vld [tilespmem:s18+$0x7A10]  }
0xaf: {  	v6 =	vld [tilespmem:s18+$0x7A20]  }
0xb0: {  	v5 =	vld [tilespmem:s18+$0x7A30]  }
0xb1: {  	v4 =	vld [tilespmem:s18+$0x7A40]  }
0xb2: {  	v3 =	vld [tilespmem:s18+$0x7A50]  }
0xb3: {  	v2 =	vld [tilespmem:s18+$0x7A60]  }
0xb4: {  	v1 =	vld [tilespmem:s18+$0x7A70]  }
0xb5: {  	v13 =	vld [tilespmem:s18+$0x2A00]  }
0xb6: {  	v14 =	vld [tilespmem:s18+$0x2A10]  }
0xb7: {  	v11 =	vld [tilespmem:s18+$0x2A20]  }
0xb8: {  	v10 =	vld [tilespmem:s18+$0x2A30]  }
0xb9: {  	v9 =	vld [tilespmem:s18+$0x2A40]  }
0xba: {  	v7 =	vld [tilespmem:s18+$0x2A50];
	v13 =	vmul.f32 v8, v13  }
0xbb: {  	s20 =	simm.s32 $0x200;
	v12 =	vmul.f32 v12, v14;
	v8 =	vld [tilespmem:s18+$0x2A60]  }
.LBB2_7:
0xbc: {  	s21 =	sshra.s32 s20, $0x2;
	p1 =	sne.s32 s20, $0x9E00;
	[tilespmem:s18+$0x2A00] =	vst v13;
	v6 =	vmul.f32 v6, v11;
	v11 =	vld [tilespmem:s18+$0x2A70]  }
0xbd: {  	v13 =	vld [tilespmem:s21+$0x7A00];
	[tilespmem:s18+$0x2A10] =	vst v12;
	v5 =	vmul.f32 v5, v10  }
0xbe: {  	v12 =	vld [tilespmem:s21+$0x7A10];
	[tilespmem:s18+$0x2A20] =	vst v6;
	v4 =	vmul.f32 v4, v9  }
0xbf: {  	v6 =	vld [tilespmem:s21+$0x7A20];
	[tilespmem:s18+$0x2A30] =	vst v5;
	v3 =	vmul.f32 v3, v7  }
0xc0: {  	v5 =	vld [tilespmem:s21+$0x7A30];
	[tilespmem:s18+$0x2A40] =	vst v4;
	v2 =	vmul.f32 v2, v8  }
0xc1: {  	v4 =	vld [tilespmem:s21+$0x7A40];
	[tilespmem:s18+$0x2A50] =	vst v3;
	v1 =	vmul.f32 v1, v11  }
0xc2: {  	v3 =	vld [tilespmem:s21+$0x7A50];
	[tilespmem:s18+$0x2A60] =	vst v2  }
0xc3: {  	v2 =	vld [tilespmem:s21+$0x7A60];
	[tilespmem:s18+$0x2A70] =	vst v1;
	s18 =	smov.u32 s21  }
0xc4: {  	v1 =	vld [tilespmem:s18+$0x7A70]  }
0xc5: {  	v7 =	vld [tilespmem:s18+$0x2A00]  }
0xc6: {  	v8 =	vld [tilespmem:s18+$0x2A10]  }
.Ltmp2:
0xc7: {  	v11 =	vld [tilespmem:s18+$0x2A20];
	(pc) =	sbr.rel @p1 .LBB2_7-.Ltmp2, $4  }
0xc8: {  	v10 =	vld [tilespmem:s18+$0x2A30]  }
0xc9: {  	v9 =	vld [tilespmem:s18+$0x2A40]  }
0xca: {  	v13 =	vmul.f32 v13, v7;
	v7 =	vld [tilespmem:s18+$0x2A50]  }
0xcb: {  	s20 =	sadd.s32 $0x200, s20;
	v12 =	vmul.f32 v12, v8;
	v8 =	vld [tilespmem:s18+$0x2A60]  }
0xcc: {  	[tilespmem:s18+$0x2A00] =	vst v13;
	v6 =	vmul.f32 v6, v11;
	v63 =	vld [tilespmem:s18+$0x2A70]  }
0xcd: {  	[tilespmem:s18+$0x2A10] =	vst v12;
	v5 =	vmul.f32 v5, v10  }
0xce: {  	[tilespmem:s18+$0x2A20] =	vst v6;
	v4 =	vmul.f32 v4, v9  }
0xcf: {  	[tilespmem:s18+$0x2A30] =	vst v5;
	v3 =	vmul.f32 v3, v7  }
0xd0: {  	[tilespmem:s18+$0x2A40] =	vst v4;
	v2 =	vmul.f32 v2, v8  }
0xd1: {  	[tilespmem:s18+$0x2A50] =	vst v3;
	v1 =	vmul.f32 v1, v63  }
0xd2: {  	p1 =	seq.s32 s15, $0x3D;
	[tilespmem:s18+$0x2A60] =	vst v2  }
.Ltmp3:
0xd3: {  	[tilespmem:s18+$0x2A70] =	vst v1;
	(pc) =	sbr.rel @p1 .LBB2_10-.Ltmp3, $4  }
0xd4: {  	[spmem:s2] =	stream.indirect.scatter.add.f32 [tilespmem:s11], [sflag:$0x5], $0x80, s25, s8, $0xb8;
	[tilespmem:$0x1DA80] =	vst v63  }
0xd5: {  	_ =	swait.ge [sflag:s5], $0x2800  }
0xd6: {  	[sflag:s5] =	ssyncset.done $0x0  }
0xd7: {  	[sflag:s5] =	ssyncadd.s32 $0xFFFFD800  }
0xd8: {  	s17 =	sadd.s32 $0x3, s17  }
0xd9: {  	s18 =	sshll.u32 s17, $0x7  }
0xda: {  	s18 =	sadd.s32 s16, s18  }
0xdb: {  	s18 =	sshrl.u32 s18, $0x3  }
0xdc: {  	s17 =	smul.u32 $0x2800, s17;
	s18 =	sadd.s32 s14, s18  }
0xdd: {  	[tilespmem:s10], [sflag:$0x5] =	stream.strided.gather [hbm4b:s18+s6], $0x100, s7, s6, $0x38;
	[tilespmem:$0x1DA80] =	vst v63  }
0xde: {  	_ =	swait.ge [sflag:s5], $0x100  }
.Ltmp4:
0xdf: {  	s17 =	sadd.s32 s19, s17;
	[sflag:s5] =	ssyncset.done $0x0;
	(pc) =	sbr.rel .LBB2_4-.Ltmp4, $4  }
0xe0: {  	s17 =	sshrl.u32 s17, $0x3;
	[sflag:s5] =	ssyncadd.s32 $0xFFFFFF00  }
0xe1: {  	[tilespmem:s11], [sflag:$0x2] =	stream.indirect.gather [hbm4b:s1+s8], $0x80, s10, s8, $0xb8;
	[tilespmem:$0x1DA80] =	vst v63  }
0xe2: {  	s15 =	sadd.s32 $0x1, s15;
	s17 =	sadd.s32 s13, s17  }
0xe3: {  	[tilespmem:s12], [sflag:$0x4] =	stream.linear.gather [hbm4b:s17+s4], $0x2800, $0x38;
	[tilespmem:$0x1DA80] =	vst v63  }
.LBB2_10:
0xe4: {  	_ =	swait.ge [sflag:s28], $0x2800  }
0xe5: {  	[sflag:s28] =	ssyncset.done $0x0  }
0xe6: {  	[sflag:s28] =	ssyncadd.s32 $0xFFFFD800  }
0xe7: {  	_ =	swait.ge [sflag:s29], $0x2800  }
0xe8: {  	[sflag:s29] =	ssyncset.done $0x0  }
0xe9: {  	s15 =	simm.s32 $0x0;
	[sflag:s29] =	ssyncadd.s32 $0xFFFFD800  }
0xea: {  	v8 =	vld [tilespmem:s15+$0x5200]  }
0xeb: {  	v12 =	vld [tilespmem:s15+$0x5210]  }
0xec: {  	v6 =	vld [tilespmem:s15+$0x5220]  }
0xed: {  	v5 =	vld [tilespmem:s15+$0x5230]  }
0xee: {  	v4 =	vld [tilespmem:s15+$0x5240]  }
0xef: {  	v3 =	vld [tilespmem:s15+$0x5250]  }
0xf0: {  	v2 =	vld [tilespmem:s15+$0x5260]  }
0xf1: {  	v1 =	vld [tilespmem:s15+$0x5270]  }
0xf2: {  	v13 =	vld [tilespmem:s15+$0x200]  }
0xf3: {  	v14 =	vld [tilespmem:s15+$0x210]  }
0xf4: {  	v11 =	vld [tilespmem:s15+$0x220]  }
0xf5: {  	v10 =	vld [tilespmem:s15+$0x230]  }
0xf6: {  	v9 =	vld [tilespmem:s15+$0x240]  }
0xf7: {  	v7 =	vld [tilespmem:s15+$0x250];
	v13 =	vmul.f32 v8, v13  }
0xf8: {  	s17 =	simm.s32 $0x200;
	v12 =	vmul.f32 v12, v14;
	v8 =	vld [tilespmem:s15+$0x260]  }
.LBB2_11:
0xf9: {  	s18 =	sshra.s32 s17, $0x2;
	p1 =	sne.s32 s17, $0x9E00;
	[tilespmem:s15+$0x200] =	vst v13;
	v6 =	vmul.f32 v6, v11;
	v11 =	vld [tilespmem:s15+$0x270]  }
0xfa: {  	v13 =	vld [tilespmem:s18+$0x5200];
	[tilespmem:s15+$0x210] =	vst v12;
	v5 =	vmul.f32 v5, v10  }
0xfb: {  	v12 =	vld [tilespmem:s18+$0x5210];
	[tilespmem:s15+$0x220] =	vst v6;
	v4 =	vmul.f32 v4, v9  }
0xfc: {  	v6 =	vld [tilespmem:s18+$0x5220];
	[tilespmem:s15+$0x230] =	vst v5;
	v3 =	vmul.f32 v3, v7  }
0xfd: {  	v5 =	vld [tilespmem:s18+$0x5230];
	[tilespmem:s15+$0x240] =	vst v4;
	v2 =	vmul.f32 v2, v8  }
0xfe: {  	v4 =	vld [tilespmem:s18+$0x5240];
	[tilespmem:s15+$0x250] =	vst v3;
	v1 =	vmul.f32 v1, v11  }
0xff: {  	v3 =	vld [tilespmem:s18+$0x5250];
	[tilespmem:s15+$0x260] =	vst v2  }
0x100: {  	v2 =	vld [tilespmem:s18+$0x5260];
	[tilespmem:s15+$0x270] =	vst v1;
	s15 =	smov.u32 s18  }
0x101: {  	v1 =	vld [tilespmem:s15+$0x5270]  }
0x102: {  	v7 =	vld [tilespmem:s15+$0x200]  }
0x103: {  	v8 =	vld [tilespmem:s15+$0x210]  }
.Ltmp5:
0x104: {  	v11 =	vld [tilespmem:s15+$0x220];
	(pc) =	sbr.rel @p1 .LBB2_11-.Ltmp5, $4  }
0x105: {  	v10 =	vld [tilespmem:s15+$0x230]  }
0x106: {  	v9 =	vld [tilespmem:s15+$0x240]  }
0x107: {  	v13 =	vmul.f32 v13, v7;
	v7 =	vld [tilespmem:s15+$0x250]  }
0x108: {  	s17 =	sadd.s32 $0x200, s17;
	v12 =	vmul.f32 v12, v8;
	v8 =	vld [tilespmem:s15+$0x260]  }
0x109: {  	[tilespmem:s15+$0x200] =	vst v13;
	v6 =	vmul.f32 v6, v11;
	v63 =	vld [tilespmem:s15+$0x270]  }
0x10a: {  	[tilespmem:s15+$0x210] =	vst v12;
	v5 =	vmul.f32 v5, v10  }
0x10b: {  	[tilespmem:s15+$0x220] =	vst v6;
	v4 =	vmul.f32 v4, v9  }
0x10c: {  	[tilespmem:s15+$0x230] =	vst v5;
	v3 =	vmul.f32 v3, v7  }
0x10d: {  	[tilespmem:s15+$0x240] =	vst v4;
	v2 =	vmul.f32 v2, v8  }
0x10e: {  	[tilespmem:s15+$0x250] =	vst v3;
	v1 =	vmul.f32 v1, v63  }
0x10f: {  	[tilespmem:s15+$0x260] =	vst v2  }
0x110: {  	[tilespmem:s15+$0x270] =	vst v1  }
0x111: {  	[spmem:s2] =	stream.indirect.scatter.add.f32 [tilespmem:s3], [sflag:$0x5], $0x80, s6, s8, $0xb8;
	[tilespmem:$0x1DA80] =	vst v63  }
0x112: {  	_ =	swait.ge [sflag:s5], $0x2800  }
0x113: {  	[sflag:s5] =	ssyncset.done $0x0  }
0x114: {  	[sflag:s5] =	ssyncadd.s32 $0xFFFFD800  }
0x115: {  	s18 =	stileid.u32;
	[bflag:$0x0] =	sbarrier.arrive $0xFFFF  }
0x116: {  	s15 =	sshll.u32 s18, $0x6;
	s17 =	rddreg [dreg:$0xc]  }
0x117: {  	s15 =	sor.u32 $0x1C05, s15;
	s18 =	rddreg [dreg:$0x4];
	s17 =	sshrl.u32 s17, $0x3  }
0x118: {  	[hbm:s18], [sflag:s15] =	dma.local [spmem:s17], $0x500  }
0x119: {  	_ =	swait.ge [sflag:s5], $0x500  }
0x11a: {  	[sflag:s5] =	ssyncset.done $0x0;
	s20 =	rddreg [dreg:$0xd]  }
0x11b: {  	s21 =	rddreg [dreg:$0x5];
	[sflag:s5] =	ssyncadd.s32 $0xFFFFFB00;
	s17 =	sshrl.u32 s20, $0x3  }
0x11c: {  	[hbm:s21], [sflag:s15] =	dma.local [spmem:s17], $0x500  }
0x11d: {  	_ =	swait.ge [sflag:s5], $0x500  }
0x11e: {  	[sflag:s5] =	ssyncset.done $0x0;
	s20 =	rddreg [dreg:$0xe]  }
0x11f: {  	s21 =	rddreg [dreg:$0x6];
	[sflag:s5] =	ssyncadd.s32 $0xFFFFFB00;
	s17 =	sshrl.u32 s20, $0x3  }
0x120: {  	[hbm:s21], [sflag:s15] =	dma.local [spmem:s17], $0x500  }
0x121: {  	_ =	swait.ge [sflag:s5], $0x500  }
0x122: {  	[sflag:s5] =	ssyncset.done $0x0;
	s20 =	rddreg [dreg:$0xf]  }
0x123: {  	s21 =	rddreg [dreg:$0x7];
	[sflag:s5] =	ssyncadd.s32 $0xFFFFFB00;
	s17 =	sshrl.u32 s20, $0x3  }
0x124: {  	[hbm:s21], [sflag:s15] =	dma.local [spmem:s17], $0x500  }
0x125: {  	_ =	swait.ge [sflag:s5], $0x500  }
0x126: {  	[sflag:s5] =	ssyncset.done $0x0;
	s20 =	rddreg [dreg:$0x10]  }
0x127: {  	s21 =	rddreg [dreg:$0x8];
	[sflag:s5] =	ssyncadd.s32 $0xFFFFFB00;
	s17 =	sshrl.u32 s20, $0x3  }
0x128: {  	[hbm:s21], [sflag:s15] =	dma.local [spmem:s17], $0x500  }
0x129: {  	_ =	swait.ge [sflag:s5], $0x500  }
0x12a: {  	[sflag:s5] =	ssyncset.done $0x0  }
0x12b: {  	s20 =	sshrl.u32 s22, $0x3;
	s21 =	rddreg [dreg:$0x9];
	[sflag:s5] =	ssyncadd.s32 $0xFFFFFB00  }
0x12c: {  	[hbm:s21], [sflag:s15] =	dma.local [spmem:s20], $0x500  }
0x12d: {  	_ =	swait.ge [sflag:s5], $0x500  }
0x12e: {  	[sflag:s5] =	ssyncset.done $0x0  }
0x12f: {  	s20 =	sshrl.u32 s23, $0x3;
	s21 =	rddreg [dreg:$0xa];
	[sflag:s5] =	ssyncadd.s32 $0xFFFFFB00  }
0x130: {  	[hbm:s21], [sflag:s15] =	dma.local [spmem:s20], $0x500  }
0x131: {  	_ =	swait.ge [sflag:s5], $0x500  }
0x132: {  	[sflag:s5] =	ssyncset.done $0x0  }
0x133: {  	s18 =	sshrl.u32 s24, $0x3;
	s20 =	rddreg [dreg:$0xb];
	[sflag:s5] =	ssyncadd.s32 $0xFFFFFB00  }
0x134: {  	[hbm:s20], [sflag:s15] =	dma.local [spmem:s18], $0x400  }
0x135: {  	_ =	swait.ge [sflag:s5], $0x400  }
0x136: {  	[sflag:s5] =	ssyncset.done $0x0  }
0x137: {  	s17 =	sshrl.u32 @!p0 s30, $0x3;
	s18 =	rddreg [dreg:$0x13];
	[sflag:s5] =	ssyncadd.s32 $0xFFFFFC00  }
0x138: {  	[hbm:s18], [sflag:s15] =	dma.local @!p0 [spmem:s17], $0x100  }
0x139: {  	s15 =	simm.s32 @!p0 $0x5  }
0x13a: {  	_ =	swait.ge @!p0 [sflag:s15], $0x100  }
0x13b: {  	s26 =	sadd.s32 $0x1, s26;
	s21 =	rddreg [dreg:$0x14]  }
0x13c: {  	p1 =	sne.s32 s26, s21  }
.Ltmp6:
0x13d: {  	_ = 	snop;
	(pc) =	sbr.rel @p1 .LBB2_1-.Ltmp6, $3  }
0x13e: {  	_ =	sdelay $0x1  }
0x13f: {  	[sflag:s15] =	ssyncset.done @!p0 $0x0  }
0x140: {  	[sflag:s15] =	ssyncadd.s32 @!p0 $0xFFFFFF00  }
0x141: {  	_ =	sfence.sel $0x180000  }
0x142: {  	[bflag:$0x0] =	sbarrier.arrive $0xFFFF  }
0x143: {  	_ =	strace $0x90000047  }
0x144: {  	s0 =	stileid.u32;
	[bflag:$0x2] =	sbarrier.arrive $0xFFFF  }
0x145: {  	p0 =	sne.s32 s0, $0x0;
	s0 =	rddreg [dreg:$0x3]  }
0x146: {  	s0 =	sadd.s32 @!p0 $0x100000, s0  }
0x147: {  	[sflag:s0] =	ssyncadd.tile.s32 @!p0 $0x1;
	_ =	shalt  }
.Lfunc_end2:
_tile_overlayer_lowered:
.L_overlay_start_2:
0x148: {  	(tag) =	ssettag $0x2  }
0x149: {  	s0 =	rddreg [dreg:$0x0];
	s2 =	stileid.u32  }
0x14a: {  	s1 =	rddreg [dreg:$0x1];
	p0 =	sne.s32 s2, $0x0  }
0x14b: {  	s3 =	rddreg [dreg:$0x2];
	[bflag:$0x3] =	sbarrier.arrive $0xFFFF;
	s2 =	simm.s32 @!p0 $0x1C05  }
0x14c: {  	[timem:s3], [sflag:s2] =	dma.local @!p0 [hbm:s0], s1  }
0x14d: {  	s0 =	simm.s32 @!p0 $0x5  }
0x14e: {  	_ =	swait.ge @!p0 [sflag:s0], s1  }
0x14f: {  	s1 =	ssub.s32 @!p0 $0x0, s1;
	[sflag:s0] =	ssyncset.done @!p0 $0x0  }
0x150: {  	[sflag:s0] =	ssyncadd.s32 @!p0 s1  }
0x151: {  	[bflag:$0x3] =	sbarrier.arrive $0xFFFF  }
0x152: {  	_ =	shalt  }

</sc_bundles>
